<compile_context>
chip_gen: v7x
topology: tpu7x:2x2x1
jax: 0.10.2.dev20260603
libtpu: 0.0.44.dev20260713+nightly
codegen_flags: <defaults>
</compile_context>

<pallas_src>
import functools
import jax
import jax.numpy as jnp
from jax import lax
from jax.experimental import pallas as pl
from jax.experimental.pallas import tpu as pltpu
from jax.experimental.pallas import tpu_sc as plsc

N_NODES = 10000
N_EDGES = 320000
N_GRAPHS = 64
D_FEAT = 128
N_ACTIONS = 32

NC = 2
NS = 16
NW = NC * NS

N_PAD = 10112
ROWS_PER_TILE_WB = N_PAD // NS
EB = 128
NB = 80
E_PAD = NW * NB * EB
DEG_W = 16

_sc_mesh = plsc.VectorSubcoreMesh(core_axis_name="c", subcore_axis_name="s",
                                  num_cores=NC, num_subcores=NS)


def _worker_id():
    return lax.axis_index("c") * NS + lax.axis_index("s")


@functools.partial(
    pl.kernel,
    out_type=jax.ShapeDtypeStruct((NC, N_PAD, DEG_W), jnp.float32),
    mesh=_sc_mesh,
    compiler_params=pltpu.CompilerParams(use_tc_tiling_on_sc=False),
    scratch_types=dict(
        acc=pltpu.VMEM_SHARED((N_PAD, DEG_W), jnp.float32),
        idxbuf=pltpu.VMEM((NB, EB), jnp.int32),
        ones_v=pltpu.VMEM((EB, DEG_W), jnp.float32),
    ),
)
def _deg_kernel(dst2d, zeros16, ones16, out, acc, idxbuf, ones_v):
    c = lax.axis_index("c")
    s = lax.axis_index("s")
    w = c * NS + s
    r0 = s * ROWS_PER_TILE_WB
    pltpu.sync_copy(zeros16.at[pl.ds(r0, ROWS_PER_TILE_WB)],
                    acc.at[pl.ds(r0, ROWS_PER_TILE_WB)])
    pltpu.sync_copy(dst2d.at[pl.ds(w * NB, NB)], idxbuf)
    pltpu.sync_copy(ones16, ones_v)
    plsc.subcore_barrier()

    def body(j, carry):
        pltpu.sync_copy(ones_v, acc.at[idxbuf.at[j]], add=True)
        return carry

    lax.fori_loop(0, NB, body, 0)
    plsc.subcore_barrier()
    pltpu.sync_copy(acc.at[pl.ds(r0, ROWS_PER_TILE_WB)],
                    out.at[c, pl.ds(r0, ROWS_PER_TILE_WB)])


def _make_agg_kernel(D):
    @functools.partial(
        pl.kernel,
        out_type=jax.ShapeDtypeStruct((NC, N_PAD, D), jnp.float32),
        mesh=_sc_mesh,
        compiler_params=pltpu.CompilerParams(use_tc_tiling_on_sc=False),
        scratch_types=dict(
            acc=pltpu.VMEM_SHARED((N_PAD, D), jnp.float32),
            srcbuf=pltpu.VMEM((NB, EB), jnp.int32),
            dstbuf=pltpu.VMEM((NB, EB), jnp.int32),
            rows=pltpu.VMEM((EB, D), jnp.float32),
            sem=pltpu.SemaphoreType.DMA,
        ),
    )
    def _agg(hs, src2d, dst2d, zerosD, out, acc, srcbuf, dstbuf, rows, sem):
        c = lax.axis_index("c")
        s = lax.axis_index("s")
        w = c * NS + s
        r0 = s * ROWS_PER_TILE_WB
        pltpu.sync_copy(zerosD.at[pl.ds(r0, ROWS_PER_TILE_WB)],
                        acc.at[pl.ds(r0, ROWS_PER_TILE_WB)])
        pltpu.sync_copy(src2d.at[pl.ds(w * NB, NB)], srcbuf)
        pltpu.sync_copy(dst2d.at[pl.ds(w * NB, NB)], dstbuf)
        plsc.subcore_barrier()

        def body(j, carry):
            pltpu.async_copy(hs.at[srcbuf.at[j]], rows, sem).wait()
            pltpu.sync_copy(rows, acc.at[dstbuf.at[j]], add=True)
            return carry

        lax.fori_loop(0, NB, body, 0)
        plsc.subcore_barrier()
        pltpu.sync_copy(acc.at[pl.ds(r0, ROWS_PER_TILE_WB)],
                        out.at[c, pl.ds(r0, ROWS_PER_TILE_WB)])

    return _agg


_agg32 = _make_agg_kernel(32)
_agg64 = _make_agg_kernel(64)


def _mm1_body(x_ref, w1_ref, deg_ref, hs1_ref, dis8_ref):
    deg = deg_ref[0, :, 0] + deg_ref[1, :, 0] + 1.0
    dis = lax.rsqrt(deg)
    h = jnp.dot(x_ref[...], w1_ref[...], preferred_element_type=jnp.float32)
    hs1_ref[...] = h * dis[:, None]
    dis8_ref[...] = jnp.broadcast_to(dis[:, None], dis8_ref.shape)


def _mm1(x_p, W1, degS):
    blk = 2528
    grid = (N_PAD // blk,)
    return pl.pallas_call(
        _mm1_body,
        grid=grid,
        in_specs=[
            pl.BlockSpec((blk, D_FEAT), lambda i: (i, 0)),
            pl.BlockSpec((D_FEAT, 32), lambda i: (0, 0)),
            pl.BlockSpec((NC, blk, DEG_W), lambda i: (0, i, 0)),
        ],
        out_specs=[
            pl.BlockSpec((blk, 32), lambda i: (i, 0)),
            pl.BlockSpec((blk, 8), lambda i: (i, 0)),
        ],
        out_shape=[
            jax.ShapeDtypeStruct((N_PAD, 32), jnp.float32),
            jax.ShapeDtypeStruct((N_PAD, 8), jnp.float32),
        ],
    )(x_p, W1, degS)


def _mm2_body(agg_ref, hs1_ref, dis8_ref, b1_ref, w2_ref, hs2_ref):
    dis = dis8_ref[:, :1]
    out1 = (agg_ref[0] + agg_ref[1] + hs1_ref[...]) * dis + b1_ref[...]
    a = jnp.where(out1 >= 0, out1, 0.1 * out1)
    hs2_ref[...] = jnp.dot(a, w2_ref[...],
                           preferred_element_type=jnp.float32) * dis


def _mm2(agg1S, hs1, dis8, b1, W2):
    blk = 2528
    grid = (N_PAD // blk,)
    return pl.pallas_call(
        _mm2_body,
        grid=grid,
        in_specs=[
            pl.BlockSpec((NC, blk, 32), lambda i: (0, i, 0)),
            pl.BlockSpec((blk, 32), lambda i: (i, 0)),
            pl.BlockSpec((blk, 8), lambda i: (i, 0)),
            pl.BlockSpec((1, 32), lambda i: (0, 0)),
            pl.BlockSpec((32, 64), lambda i: (0, 0)),
        ],
        out_specs=pl.BlockSpec((blk, 64), lambda i: (i, 0)),
        out_shape=jax.ShapeDtypeStruct((N_PAD, 64), jnp.float32),
    )(agg1S, hs1, dis8, b1, W2)


_HEAD_BLK = 632
_HEAD_GRID = N_PAD // _HEAD_BLK


def _head_body(agg_ref, hs2_ref, dis8_ref, b2_ref, batch_ref,
               lw1_ref, lb1_ref, lw2_ref, lb2_ref, lw3_ref, lb3_ref,
               g_ref, out_ref):
    i = pl.program_id(0)
    dis = dis8_ref[:, :1]
    out2 = (agg_ref[0] + agg_ref[1] + hs2_ref[...]) * dis + b2_ref[...]
    ids = batch_ref[...]
    neg = jnp.float32(-3.0e38)
    gid3 = lax.broadcasted_iota(jnp.int32, (_HEAD_BLK, N_GRAPHS, 64), 1)
    ids3 = ids[:, :, None]
    blk_max = jnp.max(jnp.where(ids3 == gid3, out2[:, None, :], neg), axis=0)

    @pl.when(i == 0)
    def _():
        g_ref[...] = blk_max

    @pl.when(i > 0)
    def _():
        g_ref[...] = jnp.maximum(g_ref[...], blk_max)

    @pl.when(i == _HEAD_GRID - 1)
    def _():
        g = g_ref[...]
        z = jnp.dot(g, lw1_ref[...],
                    preferred_element_type=jnp.float32) + lb1_ref[...]
        z = jnp.where(z >= 0, z, 0.1 * z)
        z = jnp.dot(z, lw2_ref[...],
                    preferred_element_type=jnp.float32) + lb2_ref[...]
        z = jnp.where(z >= 0, z, 0.1 * z)
        out_ref[...] = jnp.dot(z, lw3_ref[...],
                               preferred_element_type=jnp.float32) + lb3_ref[...]


def _head(agg2S, hs2, dis8, b2, batch2d, LW1, Lb1, LW2, Lb2, LW3, Lb3):
    blk = _HEAD_BLK
    _, out = pl.pallas_call(
        _head_body,
        grid=(_HEAD_GRID,),
        in_specs=[
            pl.BlockSpec((NC, blk, 64), lambda i: (0, i, 0)),
            pl.BlockSpec((blk, 64), lambda i: (i, 0)),
            pl.BlockSpec((blk, 8), lambda i: (i, 0)),
            pl.BlockSpec((1, 64), lambda i: (0, 0)),
            pl.BlockSpec((blk, 1), lambda i: (i, 0)),
            pl.BlockSpec((64, 128), lambda i: (0, 0)),
            pl.BlockSpec((1, 128), lambda i: (0, 0)),
            pl.BlockSpec((128, 64), lambda i: (0, 0)),
            pl.BlockSpec((1, 64), lambda i: (0, 0)),
            pl.BlockSpec((64, N_ACTIONS), lambda i: (0, 0)),
            pl.BlockSpec((1, N_ACTIONS), lambda i: (0, 0)),
        ],
        out_specs=[
            pl.BlockSpec((N_GRAPHS, 64), lambda i: (0, 0)),
            pl.BlockSpec((N_GRAPHS, N_ACTIONS), lambda i: (0, 0)),
        ],
        out_shape=[
            jax.ShapeDtypeStruct((N_GRAPHS, 64), jnp.float32),
            jax.ShapeDtypeStruct((N_GRAPHS, N_ACTIONS), jnp.float32),
        ],
    )(agg2S, hs2, dis8, b2, batch2d, LW1, Lb1, LW2, Lb2, LW3, Lb3)
    return out


@jax.jit
def kernel(x, edge_index, batch, W1, b1, W2, b2, LW1, Lb1, LW2, Lb2, LW3, Lb3):
    src = edge_index[0]
    dst = edge_index[1]
    epad = E_PAD - N_EDGES
    src2d = jnp.concatenate(
        [src, jnp.zeros((epad,), jnp.int32)]).reshape(NW * NB, EB)
    dst2d = jnp.concatenate(
        [dst, jnp.full((epad,), N_NODES + 8, jnp.int32)]).reshape(NW * NB, EB)

    zeros16 = jnp.zeros((N_PAD, DEG_W), jnp.float32)
    zeros32 = jnp.zeros((N_PAD, 32), jnp.float32)
    zeros64 = jnp.zeros((N_PAD, 64), jnp.float32)
    ones16 = jnp.ones((EB, DEG_W), jnp.float32)

    x_p = jnp.pad(x, ((0, N_PAD - N_NODES), (0, 0)))
    batch2d = jnp.pad(batch, (0, N_PAD - N_NODES),
                      constant_values=-1).reshape(N_PAD, 1)

    degS = _deg_kernel(dst2d, zeros16, ones16)
    hs1, dis8 = _mm1(x_p, W1, degS)
    agg1S = _agg32(hs1, src2d, dst2d, zeros32)
    hs2 = _mm2(agg1S, hs1, dis8, b1.reshape(1, 32), W2)
    agg2S = _agg64(hs2, src2d, dst2d, zeros64)
    return _head(agg2S, hs2, dis8, b2.reshape(1, 64), batch2d,
                 LW1, Lb1.reshape(1, 128), LW2, Lb2.reshape(1, 64),
                 LW3, Lb3.reshape(1, N_ACTIONS))

# --- scband reference (transcript-rebuilt; emitter-appended) ---
"""Pipeline reference for scband-actor-35974646071851 (READ-ONLY COPY).

The authoritative reference and input builder live on the scoring server;
editing this copy changes nothing except your own understanding.
"""

import jax, jax.numpy as jnp
import numpy as np

N_NODES = 10000
N_EDGES = 320000
N_GRAPHS = 64
D_FEAT = 128
N_ACTIONS = 32


def _gcn_conv(x, edge_index, W, b, n_nodes):
    # GCNConv: h = D^{-1/2} (A + I) D^{-1/2} X W + b (add_self_loops=True, normalize=True)
    h = x @ W
    src = edge_index[0]
    dst = edge_index[1]
    loop = jnp.arange(n_nodes, dtype=edge_index.dtype)
    src_f = jnp.concatenate([src, loop])
    dst_f = jnp.concatenate([dst, loop])
    deg = jax.ops.segment_sum(jnp.ones(src_f.shape[0], dtype=h.dtype), dst_f, num_segments=n_nodes)
    dis = jnp.where(deg > 0, jax.lax.rsqrt(jnp.maximum(deg, 1e-12)), 0.0)
    norm = dis[src_f] * dis[dst_f]
    msgs = jnp.take(h, src_f, axis=0) * norm[:, None]
    out = jax.ops.segment_sum(msgs, dst_f, num_segments=n_nodes)
    return out + b


def setup_inputs(seed: int = 0) -> dict:
    key = jax.random.key(seed)
    ks = jax.random.split(key, 14)
    x = jax.random.normal(ks[0], (N_NODES, D_FEAT), dtype=jnp.float32)
    edge_index = jax.random.randint(ks[1], (2, N_EDGES), 0, N_NODES, dtype=jnp.int64 if jax.config.read('jax_enable_x64') else jnp.int32).astype(jnp.int32)
    batch = jnp.sort(jax.random.randint(ks[2], (N_NODES,), 0, N_GRAPHS)).astype(jnp.int32)
    def glorot(k, shape):
        fan_in, fan_out = shape[0], shape[1]
        lim = np.sqrt(6.0 / (fan_in + fan_out))
        return jax.random.uniform(k, shape, jnp.float32, -lim, lim)
    W1 = glorot(ks[3], (D_FEAT, 32)); b1 = jnp.zeros((32,), jnp.float32)
    W2 = glorot(ks[4], (32, 64));     b2 = jnp.zeros((64,), jnp.float32)
    LW1 = glorot(ks[5], (64, 128)); Lb1 = jnp.zeros((128,), jnp.float32)
    LW2 = glorot(ks[6], (128, 64)); Lb2 = jnp.zeros((64,), jnp.float32)
    LW3 = glorot(ks[7], (64, N_ACTIONS)); Lb3 = jnp.zeros((N_ACTIONS,), jnp.float32)
    return {"x": x, "edge_index": edge_index, "batch": batch,
            "W1": W1, "b1": b1, "W2": W2, "b2": b2,
            "LW1": LW1, "Lb1": Lb1, "LW2": LW2, "Lb2": Lb2, "LW3": LW3, "Lb3": Lb3}


def reference(x, edge_index, batch, W1, b1, W2, b2, LW1, Lb1, LW2, Lb2, LW3, Lb3):
    h = _gcn_conv(x, edge_index, W1, b1, N_NODES)
    h = jax.nn.leaky_relu(h, negative_slope=0.1)
    h = _gcn_conv(h, edge_index, W2, b2, N_NODES)
    g = jax.ops.segment_max(h, batch, num_segments=N_GRAPHS)
    z = jax.nn.leaky_relu(g @ LW1 + Lb1, negative_slope=0.1)
    z = jax.nn.leaky_relu(z @ LW2 + Lb2, negative_slope=0.1)
    return z @ LW3 + Lb3

if __name__ == "__main__":
    import jax
    _d = setup_inputs()
    print(jax.jit(kernel)(*tuple(_d.values())))

</pallas_src>

<mosaic_0001>
#map = affine_map<(d0, d1) -> (0, 0)>
#map1 = affine_map<(d0, d1) -> (0, 0, 0)>
module attributes {stable_mosaic.version = 14 : i64} {
  func.func @_deg_kernel(%arg0: i32, %arg1: i32, %arg2: memref<2560x128xi32, #tpu.memory_space<hbm>>, %arg3: memref<10112x16xf32, #tpu.memory_space<hbm>>, %arg4: memref<128x16xf32, #tpu.memory_space<hbm>>, %arg5: memref<2x10112x16xf32, #tpu.memory_space<hbm>>, %arg6: memref<10112x16xf32, #tpu.memory_space<vmem_shared>>, %arg7: memref<80x128xi32, #tpu.memory_space<vmem>>, %arg8: memref<128x16xf32, #tpu.memory_space<vmem>>) attributes {dimension_semantics = [#tpu.dimension_semantics<core_parallel>, #tpu.dimension_semantics<subcore_parallel>], iteration_bounds = array<i64: 2, 16>, scalar_prefetch = 0 : i64, scratch_operands = 3 : i64, tpu.core_type = #tpu.core_type<sc_vector_subcore>, window_params = [{transform_indices = #map}, {transform_indices = #map}, {transform_indices = #map}, {transform_indices = #map1}]} {
    %mul3A = arith.constant 16 : i32
    %mul3A_0 = arith.muli %arg0, %mul3A : i32
    %add3A = arith.addi %mul3A_0, %arg1 : i32
    %mul3A_1 = arith.constant 632 : i32
    %mul3A_2 = arith.muli %arg1, %mul3A_1 : i32
    "tpu.region"() ({
      %run_scoped3A = tpu.sem_alloc : memref<!tpu.dma_semaphore, #tpu.memory_space<semaphore_mem>>
      %dma_start3A = arith.constant 0 : i32
      %dma_start3A_11 = tpu.memref_slice %arg6[%mul3A_2, %dma_start3A] : memref<10112x16xf32, #tpu.memory_space<vmem_shared>> -> memref<632x16xf32, #tpu.memory_space<vmem_shared>>
      %dma_start3A_12 = arith.constant 0 : i32
      %dma_start3A_13 = tpu.memref_slice %arg3[%mul3A_2, %dma_start3A_12] : memref<10112x16xf32, #tpu.memory_space<hbm>> -> memref<632x16xf32, #tpu.memory_space<hbm>>
      tpu.enqueue_dma source(%dma_start3A_13 : memref<632x16xf32, #tpu.memory_space<hbm>>) target(%dma_start3A_11 : memref<632x16xf32, #tpu.memory_space<vmem_shared>>) target_semaphore(%run_scoped3A : memref<!tpu.dma_semaphore, #tpu.memory_space<semaphore_mem>>)
      %dma_wait3A = arith.constant 0 : i32
      %dma_wait3A_14 = tpu.memref_slice %arg6[%mul3A_2, %dma_wait3A] : memref<10112x16xf32, #tpu.memory_space<vmem_shared>> -> memref<632x16xf32, #tpu.memory_space<vmem_shared>>
      %dma_wait3A_15 = arith.constant 0 : i32
      %dma_wait3A_16 = tpu.memref_slice %arg3[%mul3A_2, %dma_wait3A_15] : memref<10112x16xf32, #tpu.memory_space<hbm>> -> memref<632x16xf32, #tpu.memory_space<hbm>>
      tpu.wait_dma2 semaphore(%run_scoped3A : memref<!tpu.dma_semaphore, #tpu.memory_space<semaphore_mem>>) src(%dma_wait3A_16 : memref<632x16xf32, #tpu.memory_space<hbm>>) dst(%dma_wait3A_14 : memref<632x16xf32, #tpu.memory_space<vmem_shared>>)
      tpu.yield
    }) : () -> ()
    %mul3A_3 = arith.constant 80 : i32
    %mul3A_4 = arith.muli %add3A, %mul3A_3 : i32
    "tpu.region"() ({
      %run_scoped3A = tpu.sem_alloc : memref<!tpu.dma_semaphore, #tpu.memory_space<semaphore_mem>>
      %dma_start3A = arith.constant 0 : i32
      %dma_start3A_11 = tpu.memref_slice %arg2[%mul3A_4, %dma_start3A] : memref<2560x128xi32, #tpu.memory_space<hbm>> -> memref<80x128xi32, #tpu.memory_space<hbm>>
      %dma_start3A_12 = arith.constant 0 : i32
      %dma_start3A_13 = tpu.memref_slice %arg2[%mul3A_4, %dma_start3A_12] : memref<2560x128xi32, #tpu.memory_space<hbm>> -> memref<80x128xi32, #tpu.memory_space<hbm>>
      tpu.enqueue_dma source(%dma_start3A_13 : memref<80x128xi32, #tpu.memory_space<hbm>>) target(%arg7 : memref<80x128xi32, #tpu.memory_space<vmem>>) target_semaphore(%run_scoped3A : memref<!tpu.dma_semaphore, #tpu.memory_space<semaphore_mem>>)
      %dma_wait3A = arith.constant 0 : i32
      %dma_wait3A_14 = tpu.memref_slice %arg2[%mul3A_4, %dma_wait3A] : memref<2560x128xi32, #tpu.memory_space<hbm>> -> memref<80x128xi32, #tpu.memory_space<hbm>>
      %dma_wait3A_15 = arith.constant 0 : i32
      %dma_wait3A_16 = tpu.memref_slice %arg2[%mul3A_4, %dma_wait3A_15] : memref<2560x128xi32, #tpu.memory_space<hbm>> -> memref<80x128xi32, #tpu.memory_space<hbm>>
      tpu.wait_dma2 semaphore(%run_scoped3A : memref<!tpu.dma_semaphore, #tpu.memory_space<semaphore_mem>>) src(%dma_wait3A_16 : memref<80x128xi32, #tpu.memory_space<hbm>>) dst(%arg7 : memref<80x128xi32, #tpu.memory_space<vmem>>)
      tpu.yield
    }) : () -> ()
    "tpu.region"() ({
      %run_scoped3A = tpu.sem_alloc : memref<!tpu.dma_semaphore, #tpu.memory_space<semaphore_mem>>
      tpu.enqueue_dma source(%arg4 : memref<128x16xf32, #tpu.memory_space<hbm>>) target(%arg8 : memref<128x16xf32, #tpu.memory_space<vmem>>) target_semaphore(%run_scoped3A : memref<!tpu.dma_semaphore, #tpu.memory_space<semaphore_mem>>)
      tpu.wait_dma2 semaphore(%run_scoped3A : memref<!tpu.dma_semaphore, #tpu.memory_space<semaphore_mem>>) src(%arg4 : memref<128x16xf32, #tpu.memory_space<hbm>>) dst(%arg8 : memref<128x16xf32, #tpu.memory_space<vmem>>)
      tpu.yield
    }) : () -> ()
    %barrier3A = arith.constant 0 : index
    tpu.barrier barrier_id(%barrier3A)
    %scan3A = arith.constant 0 : i32
    %scan3A_5 = arith.constant 0 : i32
    %scan3A_6 = arith.constant 80 : i32
    %scan3A_7 = arith.addi %scan3A_5, %scan3A_6 : i32
    %scan3A_8 = arith.constant 1 : i32
    scf.for %scan3A_11 = %scan3A_5 to %scan3A_7 step %scan3A_8  : i32 {
      "tpu.region"() ({
        %run_scoped3A = tpu.sem_alloc : memref<!tpu.dma_semaphore, #tpu.memory_space<semaphore_mem>>
        %dma_start3A = arith.constant 0 : i32
        %dma_start3A_12 = tpu.memref_slice %arg7[%scan3A_11, %dma_start3A] : memref<80x128xi32, #tpu.memory_space<vmem>> -> memref<1x128xi32, #tpu.memory_space<vmem>>
        %dma_start3A_13 = tpu.memref_squeeze %dma_start3A_12 : memref<1x128xi32, #tpu.memory_space<vmem>> -> memref<128xi32, #tpu.memory_space<vmem>>
        %dma_start3A_14 = arith.constant 0 : i32
        %dma_start3A_15 = arith.constant 0 : i32
        %dma_start3A_16 = tpu.memref_slice %arg6[%dma_start3A_14, %dma_start3A_15] : memref<10112x16xf32, #tpu.memory_space<vmem_shared>> -> memref<10112x16xf32, #tpu.memory_space<vmem_shared>>
        tpu.enqueue_indirect_dma source(%arg8 : memref<128x16xf32, #tpu.memory_space<vmem>>) target(%dma_start3A_16 : memref<10112x16xf32, #tpu.memory_space<vmem_shared>>) offsets(%dma_start3A_13 : memref<128xi32, #tpu.memory_space<vmem>>) semaphore(%run_scoped3A : memref<!tpu.dma_semaphore, #tpu.memory_space<semaphore_mem>>) {add = true}
        %dma_wait3A = arith.constant 0 : i32
        %dma_wait3A_17 = tpu.memref_slice %arg7[%scan3A_11, %dma_wait3A] : memref<80x128xi32, #tpu.memory_space<vmem>> -> memref<1x128xi32, #tpu.memory_space<vmem>>
        %dma_wait3A_18 = tpu.memref_squeeze %dma_wait3A_17 : memref<1x128xi32, #tpu.memory_space<vmem>> -> memref<128xi32, #tpu.memory_space<vmem>>
        %dma_wait3A_19 = arith.constant 0 : i32
        %dma_wait3A_20 = arith.constant 0 : i32
        %dma_wait3A_21 = tpu.memref_slice %arg6[%dma_wait3A_19, %dma_wait3A_20] : memref<10112x16xf32, #tpu.memory_space<vmem_shared>> -> memref<10112x16xf32, #tpu.memory_space<vmem_shared>>
        tpu.wait_indirect_dma semaphore(%run_scoped3A : memref<!tpu.dma_semaphore, #tpu.memory_space<semaphore_mem>>) src(%arg8 : memref<128x16xf32, #tpu.memory_space<vmem>>) dst(%dma_wait3A_21 : memref<10112x16xf32, #tpu.memory_space<vmem_shared>>)
        tpu.yield
      }) : () -> ()
    }
    %scan3A_9 = arith.constant 80 : i32
    %barrier3A_10 = arith.constant 0 : index
    tpu.barrier barrier_id(%barrier3A_10)
    "tpu.region"() ({
      %run_scoped3A = tpu.sem_alloc : memref<!tpu.dma_semaphore, #tpu.memory_space<semaphore_mem>>
      %dma_start3A = arith.constant 0 : i32
      %dma_start3A_11 = tpu.memref_slice %arg5[%arg0, %mul3A_2, %dma_start3A] : memref<2x10112x16xf32, #tpu.memory_space<hbm>> -> memref<1x632x16xf32, #tpu.memory_space<hbm>>
      %dma_start3A_12 = tpu.memref_squeeze %dma_start3A_11 : memref<1x632x16xf32, #tpu.memory_space<hbm>> -> memref<632x16xf32, #tpu.memory_space<hbm>>
      %dma_start3A_13 = arith.constant 0 : i32
      %dma_start3A_14 = tpu.memref_slice %arg6[%mul3A_2, %dma_start3A_13] : memref<10112x16xf32, #tpu.memory_space<vmem_shared>> -> memref<632x16xf32, #tpu.memory_space<vmem_shared>>
      tpu.enqueue_dma source(%dma_start3A_14 : memref<632x16xf32, #tpu.memory_space<vmem_shared>>) target(%dma_start3A_12 : memref<632x16xf32, #tpu.memory_space<hbm>>) target_semaphore(%run_scoped3A : memref<!tpu.dma_semaphore, #tpu.memory_space<semaphore_mem>>)
      %dma_wait3A = arith.constant 0 : i32
      %dma_wait3A_15 = tpu.memref_slice %arg5[%arg0, %mul3A_2, %dma_wait3A] : memref<2x10112x16xf32, #tpu.memory_space<hbm>> -> memref<1x632x16xf32, #tpu.memory_space<hbm>>
      %dma_wait3A_16 = tpu.memref_squeeze %dma_wait3A_15 : memref<1x632x16xf32, #tpu.memory_space<hbm>> -> memref<632x16xf32, #tpu.memory_space<hbm>>
      %dma_wait3A_17 = arith.constant 0 : i32
      %dma_wait3A_18 = tpu.memref_slice %arg6[%mul3A_2, %dma_wait3A_17] : memref<10112x16xf32, #tpu.memory_space<vmem_shared>> -> memref<632x16xf32, #tpu.memory_space<vmem_shared>>
      tpu.wait_dma2 semaphore(%run_scoped3A : memref<!tpu.dma_semaphore, #tpu.memory_space<semaphore_mem>>) src(%dma_wait3A_18 : memref<632x16xf32, #tpu.memory_space<vmem_shared>>) dst(%dma_wait3A_16 : memref<632x16xf32, #tpu.memory_space<hbm>>)
      tpu.yield
    }) : () -> ()
    return
  }
}

#map = affine_map<(d0, d1) -> (0, 0)>
#map1 = affine_map<(d0, d1) -> (0, 0, 0)>
module attributes {stable_mosaic.version = 14 : i64} {
  func.func @_agg(%arg0: i32, %arg1: i32, %arg2: memref<10112x32xf32, #tpu.memory_space<hbm>>, %arg3: memref<2560x128xi32, #tpu.memory_space<hbm>>, %arg4: memref<2560x128xi32, #tpu.memory_space<hbm>>, %arg5: memref<10112x32xf32, #tpu.memory_space<hbm>>, %arg6: memref<2x10112x32xf32, #tpu.memory_space<hbm>>, %arg7: memref<10112x32xf32, #tpu.memory_space<vmem_shared>>, %arg8: memref<80x128xi32, #tpu.memory_space<vmem>>, %arg9: memref<128x32xf32, #tpu.memory_space<vmem>>, %arg10: memref<!tpu.dma_semaphore, #tpu.memory_space<semaphore_mem>>, %arg11: memref<80x128xi32, #tpu.memory_space<vmem>>) attributes {dimension_semantics = [#tpu.dimension_semantics<core_parallel>, #tpu.dimension_semantics<subcore_parallel>], iteration_bounds = array<i64: 2, 16>, scalar_prefetch = 0 : i64, scratch_operands = 5 : i64, tpu.core_type = #tpu.core_type<sc_vector_subcore>, window_params = [{transform_indices = #map}, {transform_indices = #map}, {transform_indices = #map}, {transform_indices = #map}, {transform_indices = #map1}]} {
    %mul3A = arith.constant 16 : i32
    %mul3A_0 = arith.muli %arg0, %mul3A : i32
    %add3A = arith.addi %mul3A_0, %arg1 : i32
    %mul3A_1 = arith.constant 632 : i32
    %mul3A_2 = arith.muli %arg1, %mul3A_1 : i32
    "tpu.region"() ({
      %run_scoped3A = tpu.sem_alloc : memref<!tpu.dma_semaphore, #tpu.memory_space<semaphore_mem>>
      %dma_start3A = arith.constant 0 : i32
      %dma_start3A_13 = tpu.memref_slice %arg7[%mul3A_2, %dma_start3A] : memref<10112x32xf32, #tpu.memory_space<vmem_shared>> -> memref<632x32xf32, #tpu.memory_space<vmem_shared>>
      %dma_start3A_14 = arith.constant 0 : i32
      %dma_start3A_15 = tpu.memref_slice %arg5[%mul3A_2, %dma_start3A_14] : memref<10112x32xf32, #tpu.memory_space<hbm>> -> memref<632x32xf32, #tpu.memory_space<hbm>>
      tpu.enqueue_dma source(%dma_start3A_15 : memref<632x32xf32, #tpu.memory_space<hbm>>) target(%dma_start3A_13 : memref<632x32xf32, #tpu.memory_space<vmem_shared>>) target_semaphore(%run_scoped3A : memref<!tpu.dma_semaphore, #tpu.memory_space<semaphore_mem>>)
      %dma_wait3A = arith.constant 0 : i32
      %dma_wait3A_16 = tpu.memref_slice %arg7[%mul3A_2, %dma_wait3A] : memref<10112x32xf32, #tpu.memory_space<vmem_shared>> -> memref<632x32xf32, #tpu.memory_space<vmem_shared>>
      %dma_wait3A_17 = arith.constant 0 : i32
      %dma_wait3A_18 = tpu.memref_slice %arg5[%mul3A_2, %dma_wait3A_17] : memref<10112x32xf32, #tpu.memory_space<hbm>> -> memref<632x32xf32, #tpu.memory_space<hbm>>
      tpu.wait_dma2 semaphore(%run_scoped3A : memref<!tpu.dma_semaphore, #tpu.memory_space<semaphore_mem>>) src(%dma_wait3A_18 : memref<632x32xf32, #tpu.memory_space<hbm>>) dst(%dma_wait3A_16 : memref<632x32xf32, #tpu.memory_space<vmem_shared>>)
      tpu.yield
    }) : () -> ()
    %mul3A_3 = arith.constant 80 : i32
    %mul3A_4 = arith.muli %add3A, %mul3A_3 : i32
    "tpu.region"() ({
      %run_scoped3A = tpu.sem_alloc : memref<!tpu.dma_semaphore, #tpu.memory_space<semaphore_mem>>
      %dma_start3A = arith.constant 0 : i32
      %dma_start3A_13 = tpu.memref_slice %arg3[%mul3A_4, %dma_start3A] : memref<2560x128xi32, #tpu.memory_space<hbm>> -> memref<80x128xi32, #tpu.memory_space<hbm>>
      %dma_start3A_14 = arith.constant 0 : i32
      %dma_start3A_15 = tpu.memref_slice %arg3[%mul3A_4, %dma_start3A_14] : memref<2560x128xi32, #tpu.memory_space<hbm>> -> memref<80x128xi32, #tpu.memory_space<hbm>>
      tpu.enqueue_dma source(%dma_start3A_15 : memref<80x128xi32, #tpu.memory_space<hbm>>) target(%arg11 : memref<80x128xi32, #tpu.memory_space<vmem>>) target_semaphore(%run_scoped3A : memref<!tpu.dma_semaphore, #tpu.memory_space<semaphore_mem>>)
      %dma_wait3A = arith.constant 0 : i32
      %dma_wait3A_16 = tpu.memref_slice %arg3[%mul3A_4, %dma_wait3A] : memref<2560x128xi32, #tpu.memory_space<hbm>> -> memref<80x128xi32, #tpu.memory_space<hbm>>
      %dma_wait3A_17 = arith.constant 0 : i32
      %dma_wait3A_18 = tpu.memref_slice %arg3[%mul3A_4, %dma_wait3A_17] : memref<2560x128xi32, #tpu.memory_space<hbm>> -> memref<80x128xi32, #tpu.memory_space<hbm>>
      tpu.wait_dma2 semaphore(%run_scoped3A : memref<!tpu.dma_semaphore, #tpu.memory_space<semaphore_mem>>) src(%dma_wait3A_18 : memref<80x128xi32, #tpu.memory_space<hbm>>) dst(%arg11 : memref<80x128xi32, #tpu.memory_space<vmem>>)
      tpu.yield
    }) : () -> ()
    %mul3A_5 = arith.constant 80 : i32
    %mul3A_6 = arith.muli %add3A, %mul3A_5 : i32
    "tpu.region"() ({
      %run_scoped3A = tpu.sem_alloc : memref<!tpu.dma_semaphore, #tpu.memory_space<semaphore_mem>>
      %dma_start3A = arith.constant 0 : i32
      %dma_start3A_13 = tpu.memref_slice %arg4[%mul3A_6, %dma_start3A] : memref<2560x128xi32, #tpu.memory_space<hbm>> -> memref<80x128xi32, #tpu.memory_space<hbm>>
      %dma_start3A_14 = arith.constant 0 : i32
      %dma_start3A_15 = tpu.memref_slice %arg4[%mul3A_6, %dma_start3A_14] : memref<2560x128xi32, #tpu.memory_space<hbm>> -> memref<80x128xi32, #tpu.memory_space<hbm>>
      tpu.enqueue_dma source(%dma_start3A_15 : memref<80x128xi32, #tpu.memory_space<hbm>>) target(%arg8 : memref<80x128xi32, #tpu.memory_space<vmem>>) target_semaphore(%run_scoped3A : memref<!tpu.dma_semaphore, #tpu.memory_space<semaphore_mem>>)
      %dma_wait3A = arith.constant 0 : i32
      %dma_wait3A_16 = tpu.memref_slice %arg4[%mul3A_6, %dma_wait3A] : memref<2560x128xi32, #tpu.memory_space<hbm>> -> memref<80x128xi32, #tpu.memory_space<hbm>>
      %dma_wait3A_17 = arith.constant 0 : i32
      %dma_wait3A_18 = tpu.memref_slice %arg4[%mul3A_6, %dma_wait3A_17] : memref<2560x128xi32, #tpu.memory_space<hbm>> -> memref<80x128xi32, #tpu.memory_space<hbm>>
      tpu.wait_dma2 semaphore(%run_scoped3A : memref<!tpu.dma_semaphore, #tpu.memory_space<semaphore_mem>>) src(%dma_wait3A_18 : memref<80x128xi32, #tpu.memory_space<hbm>>) dst(%arg8 : memref<80x128xi32, #tpu.memory_space<vmem>>)
      tpu.yield
    }) : () -> ()
    %barrier3A = arith.constant 0 : index
    tpu.barrier barrier_id(%barrier3A)
    %scan3A = arith.constant 0 : i32
    %scan3A_7 = arith.constant 0 : i32
    %scan3A_8 = arith.constant 80 : i32
    %scan3A_9 = arith.addi %scan3A_7, %scan3A_8 : i32
    %scan3A_10 = arith.constant 1 : i32
    scf.for %scan3A_13 = %scan3A_7 to %scan3A_9 step %scan3A_10  : i32 {
      %dma_start3A = arith.constant 0 : i32
      %dma_start3A_14 = tpu.memref_slice %arg11[%scan3A_13, %dma_start3A] : memref<80x128xi32, #tpu.memory_space<vmem>> -> memref<1x128xi32, #tpu.memory_space<vmem>>
      %dma_start3A_15 = tpu.memref_squeeze %dma_start3A_14 : memref<1x128xi32, #tpu.memory_space<vmem>> -> memref<128xi32, #tpu.memory_space<vmem>>
      %dma_start3A_16 = arith.constant 0 : i32
      %dma_start3A_17 = arith.constant 0 : i32
      %dma_start3A_18 = tpu.memref_slice %arg2[%dma_start3A_16, %dma_start3A_17] : memref<10112x32xf32, #tpu.memory_space<hbm>> -> memref<10112x32xf32, #tpu.memory_space<hbm>>
      tpu.enqueue_indirect_dma source(%dma_start3A_18 : memref<10112x32xf32, #tpu.memory_space<hbm>>) target(%arg9 : memref<128x32xf32, #tpu.memory_space<vmem>>) offsets(%dma_start3A_15 : memref<128xi32, #tpu.memory_space<vmem>>) semaphore(%arg10 : memref<!tpu.dma_semaphore, #tpu.memory_space<semaphore_mem>>)
      %dma_wait3A = arith.constant 0 : i32
      %dma_wait3A_19 = tpu.memref_slice %arg11[%scan3A_13, %dma_wait3A] : memref<80x128xi32, #tpu.memory_space<vmem>> -> memref<1x128xi32, #tpu.memory_space<vmem>>
      %dma_wait3A_20 = tpu.memref_squeeze %dma_wait3A_19 : memref<1x128xi32, #tpu.memory_space<vmem>> -> memref<128xi32, #tpu.memory_space<vmem>>
      %dma_wait3A_21 = arith.constant 0 : i32
      %dma_wait3A_22 = arith.constant 0 : i32
      %dma_wait3A_23 = tpu.memref_slice %arg2[%dma_wait3A_21, %dma_wait3A_22] : memref<10112x32xf32, #tpu.memory_space<hbm>> -> memref<10112x32xf32, #tpu.memory_space<hbm>>
      tpu.wait_indirect_dma semaphore(%arg10 : memref<!tpu.dma_semaphore, #tpu.memory_space<semaphore_mem>>) src(%dma_wait3A_23 : memref<10112x32xf32, #tpu.memory_space<hbm>>) dst(%arg9 : memref<128x32xf32, #tpu.memory_space<vmem>>)
      "tpu.region"() ({
        %run_scoped3A = tpu.sem_alloc : memref<!tpu.dma_semaphore, #tpu.memory_space<semaphore_mem>>
        %dma_start3A_24 = arith.constant 0 : i32
        %dma_start3A_25 = tpu.memref_slice %arg8[%scan3A_13, %dma_start3A_24] : memref<80x128xi32, #tpu.memory_space<vmem>> -> memref<1x128xi32, #tpu.memory_space<vmem>>
        %dma_start3A_26 = tpu.memref_squeeze %dma_start3A_25 : memref<1x128xi32, #tpu.memory_space<vmem>> -> memref<128xi32, #tpu.memory_space<vmem>>
        %dma_start3A_27 = arith.constant 0 : i32
        %dma_start3A_28 = arith.constant 0 : i32
        %dma_start3A_29 = tpu.memref_slice %arg7[%dma_start3A_27, %dma_start3A_28] : memref<10112x32xf32, #tpu.memory_space<vmem_shared>> -> memref<10112x32xf32, #tpu.memory_space<vmem_shared>>
        tpu.enqueue_indirect_dma source(%arg9 : memref<128x32xf32, #tpu.memory_space<vmem>>) target(%dma_start3A_29 : memref<10112x32xf32, #tpu.memory_space<vmem_shared>>) offsets(%dma_start3A_26 : memref<128xi32, #tpu.memory_space<vmem>>) semaphore(%run_scoped3A : memref<!tpu.dma_semaphore, #tpu.memory_space<semaphore_mem>>) {add = true}
        %dma_wait3A_30 = arith.constant 0 : i32
        %dma_wait3A_31 = tpu.memref_slice %arg8[%scan3A_13, %dma_wait3A_30] : memref<80x128xi32, #tpu.memory_space<vmem>> -> memref<1x128xi32, #tpu.memory_space<vmem>>
        %dma_wait3A_32 = tpu.memref_squeeze %dma_wait3A_31 : memref<1x128xi32, #tpu.memory_space<vmem>> -> memref<128xi32, #tpu.memory_space<vmem>>
        %dma_wait3A_33 = arith.constant 0 : i32
        %dma_wait3A_34 = arith.constant 0 : i32
        %dma_wait3A_35 = tpu.memref_slice %arg7[%dma_wait3A_33, %dma_wait3A_34] : memref<10112x32xf32, #tpu.memory_space<vmem_shared>> -> memref<10112x32xf32, #tpu.memory_space<vmem_shared>>
        tpu.wait_indirect_dma semaphore(%run_scoped3A : memref<!tpu.dma_semaphore, #tpu.memory_space<semaphore_mem>>) src(%arg9 : memref<128x32xf32, #tpu.memory_space<vmem>>) dst(%dma_wait3A_35 : memref<10112x32xf32, #tpu.memory_space<vmem_shared>>)
        tpu.yield
      }) : () -> ()
    }
    %scan3A_11 = arith.constant 80 : i32
    %barrier3A_12 = arith.constant 0 : index
    tpu.barrier barrier_id(%barrier3A_12)
    "tpu.region"() ({
      %run_scoped3A = tpu.sem_alloc : memref<!tpu.dma_semaphore, #tpu.memory_space<semaphore_mem>>
      %dma_start3A = arith.constant 0 : i32
      %dma_start3A_13 = tpu.memref_slice %arg6[%arg0, %mul3A_2, %dma_start3A] : memref<2x10112x32xf32, #tpu.memory_space<hbm>> -> memref<1x632x32xf32, #tpu.memory_space<hbm>>
      %dma_start3A_14 = tpu.memref_squeeze %dma_start3A_13 : memref<1x632x32xf32, #tpu.memory_space<hbm>> -> memref<632x32xf32, #tpu.memory_space<hbm>>
      %dma_start3A_15 = arith.constant 0 : i32
      %dma_start3A_16 = tpu.memref_slice %arg7[%mul3A_2, %dma_start3A_15] : memref<10112x32xf32, #tpu.memory_space<vmem_shared>> -> memref<632x32xf32, #tpu.memory_space<vmem_shared>>
      tpu.enqueue_dma source(%dma_start3A_16 : memref<632x32xf32, #tpu.memory_space<vmem_shared>>) target(%dma_start3A_14 : memref<632x32xf32, #tpu.memory_space<hbm>>) target_semaphore(%run_scoped3A : memref<!tpu.dma_semaphore, #tpu.memory_space<semaphore_mem>>)
      %dma_wait3A = arith.constant 0 : i32
      %dma_wait3A_17 = tpu.memref_slice %arg6[%arg0, %mul3A_2, %dma_wait3A] : memref<2x10112x32xf32, #tpu.memory_space<hbm>> -> memref<1x632x32xf32, #tpu.memory_space<hbm>>
      %dma_wait3A_18 = tpu.memref_squeeze %dma_wait3A_17 : memref<1x632x32xf32, #tpu.memory_space<hbm>> -> memref<632x32xf32, #tpu.memory_space<hbm>>
      %dma_wait3A_19 = arith.constant 0 : i32
      %dma_wait3A_20 = tpu.memref_slice %arg7[%mul3A_2, %dma_wait3A_19] : memref<10112x32xf32, #tpu.memory_space<vmem_shared>> -> memref<632x32xf32, #tpu.memory_space<vmem_shared>>
      tpu.wait_dma2 semaphore(%run_scoped3A : memref<!tpu.dma_semaphore, #tpu.memory_space<semaphore_mem>>) src(%dma_wait3A_20 : memref<632x32xf32, #tpu.memory_space<vmem_shared>>) dst(%dma_wait3A_18 : memref<632x32xf32, #tpu.memory_space<hbm>>)
      tpu.yield
    }) : () -> ()
    return
  }
}

#map = affine_map<(d0, d1) -> (0, 0)>
#map1 = affine_map<(d0, d1) -> (0, 0, 0)>
module attributes {stable_mosaic.version = 14 : i64} {
  func.func @_agg(%arg0: i32, %arg1: i32, %arg2: memref<10112x64xf32, #tpu.memory_space<hbm>>, %arg3: memref<2560x128xi32, #tpu.memory_space<hbm>>, %arg4: memref<2560x128xi32, #tpu.memory_space<hbm>>, %arg5: memref<10112x64xf32, #tpu.memory_space<hbm>>, %arg6: memref<2x10112x64xf32, #tpu.memory_space<hbm>>, %arg7: memref<10112x64xf32, #tpu.memory_space<vmem_shared>>, %arg8: memref<80x128xi32, #tpu.memory_space<vmem>>, %arg9: memref<128x64xf32, #tpu.memory_space<vmem>>, %arg10: memref<!tpu.dma_semaphore, #tpu.memory_space<semaphore_mem>>, %arg11: memref<80x128xi32, #tpu.memory_space<vmem>>) attributes {dimension_semantics = [#tpu.dimension_semantics<core_parallel>, #tpu.dimension_semantics<subcore_parallel>], iteration_bounds = array<i64: 2, 16>, scalar_prefetch = 0 : i64, scratch_operands = 5 : i64, tpu.core_type = #tpu.core_type<sc_vector_subcore>, window_params = [{transform_indices = #map}, {transform_indices = #map}, {transform_indices = #map}, {transform_indices = #map}, {transform_indices = #map1}]} {
    %mul3A = arith.constant 16 : i32
    %mul3A_0 = arith.muli %arg0, %mul3A : i32
    %add3A = arith.addi %mul3A_0, %arg1 : i32
    %mul3A_1 = arith.constant 632 : i32
    %mul3A_2 = arith.muli %arg1, %mul3A_1 : i32
    "tpu.region"() ({
      %run_scoped3A = tpu.sem_alloc : memref<!tpu.dma_semaphore, #tpu.memory_space<semaphore_mem>>
      %dma_start3A = arith.constant 0 : i32
      %dma_start3A_13 = tpu.memref_slice %arg7[%mul3A_2, %dma_start3A] : memref<10112x64xf32, #tpu.memory_space<vmem_shared>> -> memref<632x64xf32, #tpu.memory_space<vmem_shared>>
      %dma_start3A_14 = arith.constant 0 : i32
      %dma_start3A_15 = tpu.memref_slice %arg5[%mul3A_2, %dma_start3A_14] : memref<10112x64xf32, #tpu.memory_space<hbm>> -> memref<632x64xf32, #tpu.memory_space<hbm>>
      tpu.enqueue_dma source(%dma_start3A_15 : memref<632x64xf32, #tpu.memory_space<hbm>>) target(%dma_start3A_13 : memref<632x64xf32, #tpu.memory_space<vmem_shared>>) target_semaphore(%run_scoped3A : memref<!tpu.dma_semaphore, #tpu.memory_space<semaphore_mem>>)
      %dma_wait3A = arith.constant 0 : i32
      %dma_wait3A_16 = tpu.memref_slice %arg7[%mul3A_2, %dma_wait3A] : memref<10112x64xf32, #tpu.memory_space<vmem_shared>> -> memref<632x64xf32, #tpu.memory_space<vmem_shared>>
      %dma_wait3A_17 = arith.constant 0 : i32
      %dma_wait3A_18 = tpu.memref_slice %arg5[%mul3A_2, %dma_wait3A_17] : memref<10112x64xf32, #tpu.memory_space<hbm>> -> memref<632x64xf32, #tpu.memory_space<hbm>>
      tpu.wait_dma2 semaphore(%run_scoped3A : memref<!tpu.dma_semaphore, #tpu.memory_space<semaphore_mem>>) src(%dma_wait3A_18 : memref<632x64xf32, #tpu.memory_space<hbm>>) dst(%dma_wait3A_16 : memref<632x64xf32, #tpu.memory_space<vmem_shared>>)
      tpu.yield
    }) : () -> ()
    %mul3A_3 = arith.constant 80 : i32
    %mul3A_4 = arith.muli %add3A, %mul3A_3 : i32
    "tpu.region"() ({
      %run_scoped3A = tpu.sem_alloc : memref<!tpu.dma_semaphore, #tpu.memory_space<semaphore_mem>>
      %dma_start3A = arith.constant 0 : i32
      %dma_start3A_13 = tpu.memref_slice %arg3[%mul3A_4, %dma_start3A] : memref<2560x128xi32, #tpu.memory_space<hbm>> -> memref<80x128xi32, #tpu.memory_space<hbm>>
      %dma_start3A_14 = arith.constant 0 : i32
      %dma_start3A_15 = tpu.memref_slice %arg3[%mul3A_4, %dma_start3A_14] : memref<2560x128xi32, #tpu.memory_space<hbm>> -> memref<80x128xi32, #tpu.memory_space<hbm>>
      tpu.enqueue_dma source(%dma_start3A_15 : memref<80x128xi32, #tpu.memory_space<hbm>>) target(%arg11 : memref<80x128xi32, #tpu.memory_space<vmem>>) target_semaphore(%run_scoped3A : memref<!tpu.dma_semaphore, #tpu.memory_space<semaphore_mem>>)
      %dma_wait3A = arith.constant 0 : i32
      %dma_wait3A_16 = tpu.memref_slice %arg3[%mul3A_4, %dma_wait3A] : memref<2560x128xi32, #tpu.memory_space<hbm>> -> memref<80x128xi32, #tpu.memory_space<hbm>>
      %dma_wait3A_17 = arith.constant 0 : i32
      %dma_wait3A_18 = tpu.memref_slice %arg3[%mul3A_4, %dma_wait3A_17] : memref<2560x128xi32, #tpu.memory_space<hbm>> -> memref<80x128xi32, #tpu.memory_space<hbm>>
      tpu.wait_dma2 semaphore(%run_scoped3A : memref<!tpu.dma_semaphore, #tpu.memory_space<semaphore_mem>>) src(%dma_wait3A_18 : memref<80x128xi32, #tpu.memory_space<hbm>>) dst(%arg11 : memref<80x128xi32, #tpu.memory_space<vmem>>)
      tpu.yield
    }) : () -> ()
    %mul3A_5 = arith.constant 80 : i32
    %mul3A_6 = arith.muli %add3A, %mul3A_5 : i32
    "tpu.region"() ({
      %run_scoped3A = tpu.sem_alloc : memref<!tpu.dma_semaphore, #tpu.memory_space<semaphore_mem>>
      %dma_start3A = arith.constant 0 : i32
      %dma_start3A_13 = tpu.memref_slice %arg4[%mul3A_6, %dma_start3A] : memref<2560x128xi32, #tpu.memory_space<hbm>> -> memref<80x128xi32, #tpu.memory_space<hbm>>
      %dma_start3A_14 = arith.constant 0 : i32
      %dma_start3A_15 = tpu.memref_slice %arg4[%mul3A_6, %dma_start3A_14] : memref<2560x128xi32, #tpu.memory_space<hbm>> -> memref<80x128xi32, #tpu.memory_space<hbm>>
      tpu.enqueue_dma source(%dma_start3A_15 : memref<80x128xi32, #tpu.memory_space<hbm>>) target(%arg8 : memref<80x128xi32, #tpu.memory_space<vmem>>) target_semaphore(%run_scoped3A : memref<!tpu.dma_semaphore, #tpu.memory_space<semaphore_mem>>)
      %dma_wait3A = arith.constant 0 : i32
      %dma_wait3A_16 = tpu.memref_slice %arg4[%mul3A_6, %dma_wait3A] : memref<2560x128xi32, #tpu.memory_space<hbm>> -> memref<80x128xi32, #tpu.memory_space<hbm>>
      %dma_wait3A_17 = arith.constant 0 : i32
      %dma_wait3A_18 = tpu.memref_slice %arg4[%mul3A_6, %dma_wait3A_17] : memref<2560x128xi32, #tpu.memory_space<hbm>> -> memref<80x128xi32, #tpu.memory_space<hbm>>
      tpu.wait_dma2 semaphore(%run_scoped3A : memref<!tpu.dma_semaphore, #tpu.memory_space<semaphore_mem>>) src(%dma_wait3A_18 : memref<80x128xi32, #tpu.memory_space<hbm>>) dst(%arg8 : memref<80x128xi32, #tpu.memory_space<vmem>>)
      tpu.yield
    }) : () -> ()
    %barrier3A = arith.constant 0 : index
    tpu.barrier barrier_id(%barrier3A)
    %scan3A = arith.constant 0 : i32
    %scan3A_7 = arith.constant 0 : i32
    %scan3A_8 = arith.constant 80 : i32
    %scan3A_9 = arith.addi %scan3A_7, %scan3A_8 : i32
    %scan3A_10 = arith.constant 1 : i32
    scf.for %scan3A_13 = %scan3A_7 to %scan3A_9 step %scan3A_10  : i32 {
      %dma_start3A = arith.constant 0 : i32
      %dma_start3A_14 = tpu.memref_slice %arg11[%scan3A_13, %dma_start3A] : memref<80x128xi32, #tpu.memory_space<vmem>> -> memref<1x128xi32, #tpu.memory_space<vmem>>
      %dma_start3A_15 = tpu.memref_squeeze %dma_start3A_14 : memref<1x128xi32, #tpu.memory_space<vmem>> -> memref<128xi32, #tpu.memory_space<vmem>>
      %dma_start3A_16 = arith.constant 0 : i32
      %dma_start3A_17 = arith.constant 0 : i32
      %dma_start3A_18 = tpu.memref_slice %arg2[%dma_start3A_16, %dma_start3A_17] : memref<10112x64xf32, #tpu.memory_space<hbm>> -> memref<10112x64xf32, #tpu.memory_space<hbm>>
      tpu.enqueue_indirect_dma source(%dma_start3A_18 : memref<10112x64xf32, #tpu.memory_space<hbm>>) target(%arg9 : memref<128x64xf32, #tpu.memory_space<vmem>>) offsets(%dma_start3A_15 : memref<128xi32, #tpu.memory_space<vmem>>) semaphore(%arg10 : memref<!tpu.dma_semaphore, #tpu.memory_space<semaphore_mem>>)
      %dma_wait3A = arith.constant 0 : i32
      %dma_wait3A_19 = tpu.memref_slice %arg11[%scan3A_13, %dma_wait3A] : memref<80x128xi32, #tpu.memory_space<vmem>> -> memref<1x128xi32, #tpu.memory_space<vmem>>
      %dma_wait3A_20 = tpu.memref_squeeze %dma_wait3A_19 : memref<1x128xi32, #tpu.memory_space<vmem>> -> memref<128xi32, #tpu.memory_space<vmem>>
      %dma_wait3A_21 = arith.constant 0 : i32
      %dma_wait3A_22 = arith.constant 0 : i32
      %dma_wait3A_23 = tpu.memref_slice %arg2[%dma_wait3A_21, %dma_wait3A_22] : memref<10112x64xf32, #tpu.memory_space<hbm>> -> memref<10112x64xf32, #tpu.memory_space<hbm>>
      tpu.wait_indirect_dma semaphore(%arg10 : memref<!tpu.dma_semaphore, #tpu.memory_space<semaphore_mem>>) src(%dma_wait3A_23 : memref<10112x64xf32, #tpu.memory_space<hbm>>) dst(%arg9 : memref<128x64xf32, #tpu.memory_space<vmem>>)
      "tpu.region"() ({
        %run_scoped3A = tpu.sem_alloc : memref<!tpu.dma_semaphore, #tpu.memory_space<semaphore_mem>>
        %dma_start3A_24 = arith.constant 0 : i32
        %dma_start3A_25 = tpu.memref_slice %arg8[%scan3A_13, %dma_start3A_24] : memref<80x128xi32, #tpu.memory_space<vmem>> -> memref<1x128xi32, #tpu.memory_space<vmem>>
        %dma_start3A_26 = tpu.memref_squeeze %dma_start3A_25 : memref<1x128xi32, #tpu.memory_space<vmem>> -> memref<128xi32, #tpu.memory_space<vmem>>
        %dma_start3A_27 = arith.constant 0 : i32
        %dma_start3A_28 = arith.constant 0 : i32
        %dma_start3A_29 = tpu.memref_slice %arg7[%dma_start3A_27, %dma_start3A_28] : memref<10112x64xf32, #tpu.memory_space<vmem_shared>> -> memref<10112x64xf32, #tpu.memory_space<vmem_shared>>
        tpu.enqueue_indirect_dma source(%arg9 : memref<128x64xf32, #tpu.memory_space<vmem>>) target(%dma_start3A_29 : memref<10112x64xf32, #tpu.memory_space<vmem_shared>>) offsets(%dma_start3A_26 : memref<128xi32, #tpu.memory_space<vmem>>) semaphore(%run_scoped3A : memref<!tpu.dma_semaphore, #tpu.memory_space<semaphore_mem>>) {add = true}
        %dma_wait3A_30 = arith.constant 0 : i32
        %dma_wait3A_31 = tpu.memref_slice %arg8[%scan3A_13, %dma_wait3A_30] : memref<80x128xi32, #tpu.memory_space<vmem>> -> memref<1x128xi32, #tpu.memory_space<vmem>>
        %dma_wait3A_32 = tpu.memref_squeeze %dma_wait3A_31 : memref<1x128xi32, #tpu.memory_space<vmem>> -> memref<128xi32, #tpu.memory_space<vmem>>
        %dma_wait3A_33 = arith.constant 0 : i32
        %dma_wait3A_34 = arith.constant 0 : i32
        %dma_wait3A_35 = tpu.memref_slice %arg7[%dma_wait3A_33, %dma_wait3A_34] : memref<10112x64xf32, #tpu.memory_space<vmem_shared>> -> memref<10112x64xf32, #tpu.memory_space<vmem_shared>>
        tpu.wait_indirect_dma semaphore(%run_scoped3A : memref<!tpu.dma_semaphore, #tpu.memory_space<semaphore_mem>>) src(%arg9 : memref<128x64xf32, #tpu.memory_space<vmem>>) dst(%dma_wait3A_35 : memref<10112x64xf32, #tpu.memory_space<vmem_shared>>)
        tpu.yield
      }) : () -> ()
    }
    %scan3A_11 = arith.constant 80 : i32
    %barrier3A_12 = arith.constant 0 : index
    tpu.barrier barrier_id(%barrier3A_12)
    "tpu.region"() ({
      %run_scoped3A = tpu.sem_alloc : memref<!tpu.dma_semaphore, #tpu.memory_space<semaphore_mem>>
      %dma_start3A = arith.constant 0 : i32
      %dma_start3A_13 = tpu.memref_slice %arg6[%arg0, %mul3A_2, %dma_start3A] : memref<2x10112x64xf32, #tpu.memory_space<hbm>> -> memref<1x632x64xf32, #tpu.memory_space<hbm>>
      %dma_start3A_14 = tpu.memref_squeeze %dma_start3A_13 : memref<1x632x64xf32, #tpu.memory_space<hbm>> -> memref<632x64xf32, #tpu.memory_space<hbm>>
      %dma_start3A_15 = arith.constant 0 : i32
      %dma_start3A_16 = tpu.memref_slice %arg7[%mul3A_2, %dma_start3A_15] : memref<10112x64xf32, #tpu.memory_space<vmem_shared>> -> memref<632x64xf32, #tpu.memory_space<vmem_shared>>
      tpu.enqueue_dma source(%dma_start3A_16 : memref<632x64xf32, #tpu.memory_space<vmem_shared>>) target(%dma_start3A_14 : memref<632x64xf32, #tpu.memory_space<hbm>>) target_semaphore(%run_scoped3A : memref<!tpu.dma_semaphore, #tpu.memory_space<semaphore_mem>>)
      %dma_wait3A = arith.constant 0 : i32
      %dma_wait3A_17 = tpu.memref_slice %arg6[%arg0, %mul3A_2, %dma_wait3A] : memref<2x10112x64xf32, #tpu.memory_space<hbm>> -> memref<1x632x64xf32, #tpu.memory_space<hbm>>
      %dma_wait3A_18 = tpu.memref_squeeze %dma_wait3A_17 : memref<1x632x64xf32, #tpu.memory_space<hbm>> -> memref<632x64xf32, #tpu.memory_space<hbm>>
      %dma_wait3A_19 = arith.constant 0 : i32
      %dma_wait3A_20 = tpu.memref_slice %arg7[%mul3A_2, %dma_wait3A_19] : memref<10112x64xf32, #tpu.memory_space<vmem_shared>> -> memref<632x64xf32, #tpu.memory_space<vmem_shared>>
      tpu.wait_dma2 semaphore(%run_scoped3A : memref<!tpu.dma_semaphore, #tpu.memory_space<semaphore_mem>>) src(%dma_wait3A_20 : memref<632x64xf32, #tpu.memory_space<vmem_shared>>) dst(%dma_wait3A_18 : memref<632x64xf32, #tpu.memory_space<hbm>>)
      tpu.yield
    }) : () -> ()
    return
  }
}

module attributes {stable_mosaic.version = 14 : i64} {
  func.func @_mm1_body(%arg0: i32, %arg1: memref<2528x128xf32, #tpu.memory_space<vmem>>, %arg2: memref<128x32xf32, #tpu.memory_space<vmem>>, %arg3: memref<2x2528x16xf32, #tpu.memory_space<vmem>>, %arg4: memref<2528x32xf32, #tpu.memory_space<vmem>>, %arg5: memref<2528x8xf32, #tpu.memory_space<vmem>>) attributes {dimension_semantics = [#tpu.dimension_semantics<arbitrary>], iteration_bounds = array<i64: 4>, scalar_prefetch = 0 : i64, scratch_operands = 0 : i64, tpu.core_type = #tpu.core_type<tc>, window_params = [{transform_indices = @transform_0, window_bounds = array<i64: 2528, 128>}, {pipeline_mode = #tpu.pipeline_mode<synchronous>, transform_indices = @transform_1, window_bounds = array<i64: 128, 32>}, {transform_indices = @transform_2, window_bounds = array<i64: 2, 2528, 16>}, {transform_indices = @transform_3, window_bounds = array<i64: 2528, 32>}, {transform_indices = @transform_4, window_bounds = array<i64: 2528, 8>}]} {
    %get3A = arith.constant 0 : index
    %get3A_0 = arith.constant 0 : index
    %get3A_1 = arith.constant 0 : index
    %get3A_2 = vector.load %arg3[%get3A, %get3A_0, %get3A_1] : memref<2x2528x16xf32, #tpu.memory_space<vmem>>, vector<1x2528x1xf32>
    %get3A_3 = vector.shape_cast %get3A_2 : vector<1x2528x1xf32> to vector<2528xf32>
    %get3A_4 = arith.constant 1 : index
    %get3A_5 = arith.constant 0 : index
    %get3A_6 = arith.constant 0 : index
    %get3A_7 = vector.load %arg3[%get3A_4, %get3A_5, %get3A_6] : memref<2x2528x16xf32, #tpu.memory_space<vmem>>, vector<1x2528x1xf32>
    %get3A_8 = vector.shape_cast %get3A_7 : vector<1x2528x1xf32> to vector<2528xf32>
    %add3A = arith.addf %get3A_3, %get3A_8 : vector<2528xf32>
    %add3A_9 = arith.constant 1.000000e+00 : f32
    %add3A_10 = vector.broadcast %add3A_9 : f32 to vector<2528xf32>
    %add3A_11 = arith.addf %add3A, %add3A_10 : vector<2528xf32>
    %rsqrt3A = math.rsqrt %add3A_11 : vector<2528xf32>
    %get3A_12 = arith.constant 0 : index
    %get3A_13 = arith.constant 0 : index
    %get3A_14 = vector.load %arg1[%get3A_12, %get3A_13] : memref<2528x128xf32, #tpu.memory_space<vmem>>, vector<2528x128xf32>
    %get3A_15 = arith.constant 0 : index
    %get3A_16 = arith.constant 0 : index
    %get3A_17 = vector.load %arg2[%get3A_15, %get3A_16] : memref<128x32xf32, #tpu.memory_space<vmem>>, vector<128x32xf32>
    %dot_general3A = arith.constant dense<0.000000e+00> : vector<2528x32xf32>
    %dot_general3A_18 = tpu.matmul %get3A_14, %get3A_17, %dot_general3A {dimension_numbers = #tpu.dot_dimension_numbers<[1], [0], [0], [1], [0, 0, 1, 1], [], []>, transpose_lhs_hint = false} : vector<2528x128xf32>, vector<128x32xf32>, vector<2528x32xf32> -> vector<2528x32xf32>
    %broadcast_in_dim3A = vector.shape_cast %rsqrt3A : vector<2528xf32> to vector<2528x1xf32>
    %mul3A = vector.broadcast %broadcast_in_dim3A : vector<2528x1xf32> to vector<2528x32xf32>
    %mul3A_19 = arith.mulf %dot_general3A_18, %mul3A : vector<2528x32xf32>
    %swap3A = arith.constant 0 : index
    %swap3A_20 = arith.constant 0 : index
    %swap3A_21 = vector.load %arg4[%swap3A, %swap3A_20] : memref<2528x32xf32, #tpu.memory_space<vmem>>, vector<2528x32xf32>
    tpu.vector_store %arg4[%swap3A, %swap3A_20], %mul3A_19 {strides = array<i32>} : memref<2528x32xf32, #tpu.memory_space<vmem>>, vector<2528x32xf32>,
    %broadcast_in_dim3A_22 = vector.shape_cast %rsqrt3A : vector<2528xf32> to vector<2528x1xf32>
    %broadcast_in_dim3A_23 = vector.shape_cast %broadcast_in_dim3A_22 : vector<2528x1xf32> to vector<2528x1xf32>
    %broadcast_in_dim3A_24 = vector.broadcast %broadcast_in_dim3A_23 : vector<2528x1xf32> to vector<2528x8xf32>
    %swap3A_25 = arith.constant 0 : index
    %swap3A_26 = arith.constant 0 : index
    %swap3A_27 = vector.load %arg5[%swap3A_25, %swap3A_26] : memref<2528x8xf32, #tpu.memory_space<vmem>>, vector<2528x8xf32>
    tpu.vector_store %arg5[%swap3A_25, %swap3A_26], %broadcast_in_dim3A_24 {strides = array<i32>} : memref<2528x8xf32, #tpu.memory_space<vmem>>, vector<2528x8xf32>,
    return
  }
  func.func @transform_0(%arg0: i32) -> (i32, i32) {
    %c0_i32 = arith.constant 0 : i32
    %c0_i32_0 = arith.constant 0 : i32
    return %arg0, %c0_i32 : i32, i32
  }
  func.func @transform_1(%arg0: i32) -> (i32, i32) {
    %c0_i32 = arith.constant 0 : i32
    %c0_i32_0 = arith.constant 0 : i32
    %c0_i32_1 = arith.constant 0 : i32
    return %c0_i32, %c0_i32_0 : i32, i32
  }
  func.func @transform_2(%arg0: i32) -> (i32, i32, i32) {
    %c0_i32 = arith.constant 0 : i32
    %c0_i32_0 = arith.constant 0 : i32
    %c0_i32_1 = arith.constant 0 : i32
    return %c0_i32, %arg0, %c0_i32_0 : i32, i32, i32
  }
  func.func @transform_3(%arg0: i32) -> (i32, i32) {
    %c0_i32 = arith.constant 0 : i32
    %c0_i32_0 = arith.constant 0 : i32
    return %arg0, %c0_i32 : i32, i32
  }
  func.func @transform_4(%arg0: i32) -> (i32, i32) {
    %c0_i32 = arith.constant 0 : i32
    %c0_i32_0 = arith.constant 0 : i32
    return %arg0, %c0_i32 : i32, i32
  }
}

module attributes {stable_mosaic.version = 14 : i64} {
  func.func @_mm2_body(%arg0: i32, %arg1: memref<2x2528x32xf32, #tpu.memory_space<vmem>>, %arg2: memref<2528x32xf32, #tpu.memory_space<vmem>>, %arg3: memref<2528x8xf32, #tpu.memory_space<vmem>>, %arg4: memref<1x32xf32, #tpu.memory_space<vmem>>, %arg5: memref<32x64xf32, #tpu.memory_space<vmem>>, %arg6: memref<2528x64xf32, #tpu.memory_space<vmem>>) attributes {dimension_semantics = [#tpu.dimension_semantics<arbitrary>], iteration_bounds = array<i64: 4>, scalar_prefetch = 0 : i64, scratch_operands = 0 : i64, tpu.core_type = #tpu.core_type<tc>, window_params = [{transform_indices = @transform_0, window_bounds = array<i64: 2, 2528, 32>}, {transform_indices = @transform_1, window_bounds = array<i64: 2528, 32>}, {transform_indices = @transform_2, window_bounds = array<i64: 2528, 8>}, {pipeline_mode = #tpu.pipeline_mode<synchronous>, transform_indices = @transform_3, window_bounds = array<i64: 1, 32>}, {pipeline_mode = #tpu.pipeline_mode<synchronous>, transform_indices = @transform_4, window_bounds = array<i64: 32, 64>}, {transform_indices = @transform_5, window_bounds = array<i64: 2528, 64>}]} {
    %get3A = arith.constant 0 : index
    %get3A_0 = arith.constant 0 : index
    %get3A_1 = vector.load %arg3[%get3A, %get3A_0] : memref<2528x8xf32, #tpu.memory_space<vmem>>, vector<2528x1xf32>
    %get3A_2 = arith.constant 0 : index
    %get3A_3 = arith.constant 0 : index
    %get3A_4 = arith.constant 0 : index
    %get3A_5 = vector.load %arg1[%get3A_2, %get3A_3, %get3A_4] : memref<2x2528x32xf32, #tpu.memory_space<vmem>>, vector<1x2528x32xf32>
    %get3A_6 = vector.shape_cast %get3A_5 : vector<1x2528x32xf32> to vector<2528x32xf32>
    %get3A_7 = arith.constant 1 : index
    %get3A_8 = arith.constant 0 : index
    %get3A_9 = arith.constant 0 : index
    %get3A_10 = vector.load %arg1[%get3A_7, %get3A_8, %get3A_9] : memref<2x2528x32xf32, #tpu.memory_space<vmem>>, vector<1x2528x32xf32>
    %get3A_11 = vector.shape_cast %get3A_10 : vector<1x2528x32xf32> to vector<2528x32xf32>
    %add3A = arith.addf %get3A_6, %get3A_11 : vector<2528x32xf32>
    %get3A_12 = arith.constant 0 : index
    %get3A_13 = arith.constant 0 : index
    %get3A_14 = vector.load %arg2[%get3A_12, %get3A_13] : memref<2528x32xf32, #tpu.memory_space<vmem>>, vector<2528x32xf32>
    %add3A_15 = arith.addf %add3A, %get3A_14 : vector<2528x32xf32>
    %mul3A = vector.broadcast %get3A_1 : vector<2528x1xf32> to vector<2528x32xf32>
    %mul3A_16 = arith.mulf %add3A_15, %mul3A : vector<2528x32xf32>
    %get3A_17 = arith.constant 0 : index
    %get3A_18 = arith.constant 0 : index
    %get3A_19 = vector.load %arg4[%get3A_17, %get3A_18] : memref<1x32xf32, #tpu.memory_space<vmem>>, vector<1x32xf32>
    %add3A_20 = vector.broadcast %get3A_19 : vector<1x32xf32> to vector<2528x32xf32>
    %add3A_21 = arith.addf %mul3A_16, %add3A_20 : vector<2528x32xf32>
    %ge3A = arith.constant 0.000000e+00 : f32
    %ge3A_22 = vector.broadcast %ge3A : f32 to vector<2528x32xf32>
    %ge3A_23 = arith.cmpf oge, %add3A_21, %ge3A_22 : vector<2528x32xf32>
    %mul3A_24 = arith.constant 1.000000e-01 : f32
    %mul3A_25 = vector.broadcast %mul3A_24 : f32 to vector<2528x32xf32>
    %mul3A_26 = arith.mulf %mul3A_25, %add3A_21 : vector<2528x32xf32>
    %select_n3A = arith.select %ge3A_23, %add3A_21, %mul3A_26 : vector<2528x32xi1>, vector<2528x32xf32>
    %get3A_27 = arith.constant 0 : index
    %get3A_28 = arith.constant 0 : index
    %get3A_29 = vector.load %arg5[%get3A_27, %get3A_28] : memref<32x64xf32, #tpu.memory_space<vmem>>, vector<32x64xf32>
    %dot_general3A = arith.constant dense<0.000000e+00> : vector<2528x64xf32>
    %dot_general3A_30 = tpu.matmul %select_n3A, %get3A_29, %dot_general3A {dimension_numbers = #tpu.dot_dimension_numbers<[1], [0], [0], [1], [0, 0, 1, 1], [], []>, transpose_lhs_hint = false} : vector<2528x32xf32>, vector<32x64xf32>, vector<2528x64xf32> -> vector<2528x64xf32>
    %mul3A_31 = vector.broadcast %get3A_1 : vector<2528x1xf32> to vector<2528x64xf32>
    %mul3A_32 = arith.mulf %dot_general3A_30, %mul3A_31 : vector<2528x64xf32>
    %swap3A = arith.constant 0 : index
    %swap3A_33 = arith.constant 0 : index
    %swap3A_34 = vector.load %arg6[%swap3A, %swap3A_33] : memref<2528x64xf32, #tpu.memory_space<vmem>>, vector<2528x64xf32>
    tpu.vector_store %arg6[%swap3A, %swap3A_33], %mul3A_32 {strides = array<i32>} : memref<2528x64xf32, #tpu.memory_space<vmem>>, vector<2528x64xf32>,
    return
  }
  func.func @transform_0(%arg0: i32) -> (i32, i32, i32) {
    %c0_i32 = arith.constant 0 : i32
    %c0_i32_0 = arith.constant 0 : i32
    %c0_i32_1 = arith.constant 0 : i32
    return %c0_i32, %arg0, %c0_i32_0 : i32, i32, i32
  }
  func.func @transform_1(%arg0: i32) -> (i32, i32) {
    %c0_i32 = arith.constant 0 : i32
    %c0_i32_0 = arith.constant 0 : i32
    return %arg0, %c0_i32 : i32, i32
  }
  func.func @transform_2(%arg0: i32) -> (i32, i32) {
    %c0_i32 = arith.constant 0 : i32
    %c0_i32_0 = arith.constant 0 : i32
    return %arg0, %c0_i32 : i32, i32
  }
  func.func @transform_3(%arg0: i32) -> (i32, i32) {
    %c0_i32 = arith.constant 0 : i32
    %c0_i32_0 = arith.constant 0 : i32
    %c0_i32_1 = arith.constant 0 : i32
    return %c0_i32, %c0_i32_0 : i32, i32
  }
  func.func @transform_4(%arg0: i32) -> (i32, i32) {
    %c0_i32 = arith.constant 0 : i32
    %c0_i32_0 = arith.constant 0 : i32
    %c0_i32_1 = arith.constant 0 : i32
    return %c0_i32, %c0_i32_0 : i32, i32
  }
  func.func @transform_5(%arg0: i32) -> (i32, i32) {
    %c0_i32 = arith.constant 0 : i32
    %c0_i32_0 = arith.constant 0 : i32
    return %arg0, %c0_i32 : i32, i32
  }
}

module attributes {stable_mosaic.version = 14 : i64} {
  func.func @_head_body(%arg0: i32, %arg1: memref<2x632x64xf32, #tpu.memory_space<vmem>>, %arg2: memref<632x64xf32, #tpu.memory_space<vmem>>, %arg3: memref<632x8xf32, #tpu.memory_space<vmem>>, %arg4: memref<1x64xf32, #tpu.memory_space<vmem>>, %arg5: memref<632x1xi32, #tpu.memory_space<vmem>>, %arg6: memref<64x128xf32, #tpu.memory_space<vmem>>, %arg7: memref<1x128xf32, #tpu.memory_space<vmem>>, %arg8: memref<128x64xf32, #tpu.memory_space<vmem>>, %arg9: memref<1x64xf32, #tpu.memory_space<vmem>>, %arg10: memref<64x32xf32, #tpu.memory_space<vmem>>, %arg11: memref<1x32xf32, #tpu.memory_space<vmem>>, %arg12: memref<64x64xf32, #tpu.memory_space<vmem>>, %arg13: memref<64x32xf32, #tpu.memory_space<vmem>>) attributes {dimension_semantics = [#tpu.dimension_semantics<arbitrary>], iteration_bounds = array<i64: 16>, scalar_prefetch = 0 : i64, scratch_operands = 0 : i64, tpu.core_type = #tpu.core_type<tc>, window_params = [{transform_indices = @transform_0, window_bounds = array<i64: 2, 632, 64>}, {transform_indices = @transform_1, window_bounds = array<i64: 632, 64>}, {transform_indices = @transform_2, window_bounds = array<i64: 632, 8>}, {pipeline_mode = #tpu.pipeline_mode<synchronous>, transform_indices = @transform_3, window_bounds = array<i64: 1, 64>}, {transform_indices = @transform_4, window_bounds = array<i64: 632, 1>}, {pipeline_mode = #tpu.pipeline_mode<synchronous>, transform_indices = @transform_5, window_bounds = array<i64: 64, 128>}, {pipeline_mode = #tpu.pipeline_mode<synchronous>, transform_indices = @transform_6, window_bounds = array<i64: 1, 128>}, {pipeline_mode = #tpu.pipeline_mode<synchronous>, transform_indices = @transform_7, window_bounds = array<i64: 128, 64>}, {pipeline_mode = #tpu.pipeline_mode<synchronous>, transform_indices = @transform_8, window_bounds = array<i64: 1, 64>}, {pipeline_mode = #tpu.pipeline_mode<synchronous>, transform_indices = @transform_9, window_bounds = array<i64: 64, 32>}, {pipeline_mode = #tpu.pipeline_mode<synchronous>, transform_indices = @transform_10, window_bounds = array<i64: 1, 32>}, {pipeline_mode = #tpu.pipeline_mode<synchronous>, transform_indices = @transform_11, window_bounds = array<i64: 64, 64>}, {pipeline_mode = #tpu.pipeline_mode<synchronous>, transform_indices = @transform_12, window_bounds = array<i64: 64, 32>}]} {
    %get3A = arith.constant 0 : index
    %get3A_0 = arith.constant 0 : index
    %get3A_1 = vector.load %arg3[%get3A, %get3A_0] : memref<632x8xf32, #tpu.memory_space<vmem>>, vector<632x1xf32>
    %get3A_2 = arith.constant 0 : index
    %get3A_3 = arith.constant 0 : index
    %get3A_4 = arith.constant 0 : index
    %get3A_5 = vector.load %arg1[%get3A_2, %get3A_3, %get3A_4] : memref<2x632x64xf32, #tpu.memory_space<vmem>>, vector<1x632x64xf32>
    %get3A_6 = vector.shape_cast %get3A_5 : vector<1x632x64xf32> to vector<632x64xf32>
    %get3A_7 = arith.constant 1 : index
    %get3A_8 = arith.constant 0 : index
    %get3A_9 = arith.constant 0 : index
    %get3A_10 = vector.load %arg1[%get3A_7, %get3A_8, %get3A_9] : memref<2x632x64xf32, #tpu.memory_space<vmem>>, vector<1x632x64xf32>
    %get3A_11 = vector.shape_cast %get3A_10 : vector<1x632x64xf32> to vector<632x64xf32>
    %add3A = arith.addf %get3A_6, %get3A_11 : vector<632x64xf32>
    %get3A_12 = arith.constant 0 : index
    %get3A_13 = arith.constant 0 : index
    %get3A_14 = vector.load %arg2[%get3A_12, %get3A_13] : memref<632x64xf32, #tpu.memory_space<vmem>>, vector<632x64xf32>
    %add3A_15 = arith.addf %add3A, %get3A_14 : vector<632x64xf32>
    %mul3A = vector.broadcast %get3A_1 : vector<632x1xf32> to vector<632x64xf32>
    %mul3A_16 = arith.mulf %add3A_15, %mul3A : vector<632x64xf32>
    %get3A_17 = arith.constant 0 : index
    %get3A_18 = arith.constant 0 : index
    %get3A_19 = vector.load %arg4[%get3A_17, %get3A_18] : memref<1x64xf32, #tpu.memory_space<vmem>>, vector<1x64xf32>
    %add3A_20 = vector.broadcast %get3A_19 : vector<1x64xf32> to vector<632x64xf32>
    %add3A_21 = arith.addf %mul3A_16, %add3A_20 : vector<632x64xf32>
    %get3A_22 = arith.constant 0 : index
    %get3A_23 = arith.constant 0 : index
    %get3A_24 = vector.load %arg5[%get3A_22, %get3A_23] : memref<632x1xi32, #tpu.memory_space<vmem>>, vector<632x1xi32>
    %iota3A = tpu.iota {dimensions = array<i32: 1>} : vector<632x64x64xi32>
    %broadcast_in_dim3A = vector.shape_cast %get3A_24 : vector<632x1xi32> to vector<632x1x1xi32>
    %eq3A = vector.broadcast %broadcast_in_dim3A : vector<632x1x1xi32> to vector<632x64x64xi32>
    %eq3A_25 = arith.cmpi eq, %eq3A, %iota3A : vector<632x64x64xi32>
    %broadcast_in_dim3A_26 = vector.shape_cast %add3A_21 : vector<632x64xf32> to vector<632x1x64xf32>
    %jit3A = arith.constant -3.000000e+38 : f32
    %broadcast_in_dim3A_27 = vector.shape_cast %broadcast_in_dim3A_26 : vector<632x1x64xf32> to vector<632x1x64xf32>
    %broadcast_in_dim3A_28 = vector.broadcast %broadcast_in_dim3A_27 : vector<632x1x64xf32> to vector<632x64x64xf32>
    %broadcast_in_dim3A_29 = vector.broadcast %jit3A : f32 to vector<632x64x64xf32>
    %select_n3A = arith.select %eq3A_25, %broadcast_in_dim3A_28, %broadcast_in_dim3A_29 : vector<632x64x64xi1>, vector<632x64x64xf32>
    %reduce_max3A = arith.constant dense<0xFF800000> : vector<64x64xf32>
    %reduce_max3A_30 = vector.multi_reduction <maximumf>, %select_n3A, %reduce_max3A [0] : vector<632x64x64xf32> to vector<64x64xf32>
    %eq3A_31 = arith.constant 0 : i32
    %eq3A_32 = arith.cmpi eq, %arg0, %eq3A_31 : i32
    %convert_element_type3A = arith.extui %eq3A_32 : i1 to i32
    %cond3A = arith.constant 0 : i32
    %cond3A_33 = arith.cmpi ne, %convert_element_type3A, %cond3A : i32
    scf.if %cond3A_33 {
      %swap3A = arith.constant 0 : index
      %swap3A_43 = arith.constant 0 : index
      %swap3A_44 = vector.load %arg12[%swap3A, %swap3A_43] : memref<64x64xf32, #tpu.memory_space<vmem>>, vector<64x64xf32>
      tpu.vector_store %arg12[%swap3A, %swap3A_43], %reduce_max3A_30 {strides = array<i32>} : memref<64x64xf32, #tpu.memory_space<vmem>>, vector<64x64xf32>,
    } else {
    }
    %gt3A = arith.constant 0 : i32
    %gt3A_34 = arith.cmpi sgt, %arg0, %gt3A : i32
    %convert_element_type3A_35 = arith.extui %gt3A_34 : i1 to i32
    %cond3A_36 = arith.constant 0 : i32
    %cond3A_37 = arith.cmpi ne, %convert_element_type3A_35, %cond3A_36 : i32
    scf.if %cond3A_37 {
      %get3A_43 = arith.constant 0 : index
      %get3A_44 = arith.constant 0 : index
      %get3A_45 = vector.load %arg12[%get3A_43, %get3A_44] : memref<64x64xf32, #tpu.memory_space<vmem>>, vector<64x64xf32>
      %max3A = arith.maximumf %get3A_45, %reduce_max3A_30 : vector<64x64xf32>
      %swap3A = arith.constant 0 : index
      %swap3A_46 = arith.constant 0 : index
      %swap3A_47 = vector.load %arg12[%swap3A, %swap3A_46] : memref<64x64xf32, #tpu.memory_space<vmem>>, vector<64x64xf32>
      tpu.vector_store %arg12[%swap3A, %swap3A_46], %max3A {strides = array<i32>} : memref<64x64xf32, #tpu.memory_space<vmem>>, vector<64x64xf32>,
    } else {
    }
    %eq3A_38 = arith.constant 15 : i32
    %eq3A_39 = arith.cmpi eq, %arg0, %eq3A_38 : i32
    %convert_element_type3A_40 = arith.extui %eq3A_39 : i1 to i32
    %cond3A_41 = arith.constant 0 : i32
    %cond3A_42 = arith.cmpi ne, %convert_element_type3A_40, %cond3A_41 : i32
    scf.if %cond3A_42 {
      %get3A_43 = arith.constant 0 : index
      %get3A_44 = arith.constant 0 : index
      %get3A_45 = vector.load %arg12[%get3A_43, %get3A_44] : memref<64x64xf32, #tpu.memory_space<vmem>>, vector<64x64xf32>
      %get3A_46 = arith.constant 0 : index
      %get3A_47 = arith.constant 0 : index
      %get3A_48 = vector.load %arg6[%get3A_46, %get3A_47] : memref<64x128xf32, #tpu.memory_space<vmem>>, vector<64x128xf32>
      %dot_general3A = arith.constant dense<0.000000e+00> : vector<64x128xf32>
      %dot_general3A_49 = tpu.matmul %get3A_45, %get3A_48, %dot_general3A {dimension_numbers = #tpu.dot_dimension_numbers<[1], [0], [0], [1], [0, 0, 1, 1], [], []>, transpose_lhs_hint = false} : vector<64x64xf32>, vector<64x128xf32>, vector<64x128xf32> -> vector<64x128xf32>
      %get3A_50 = arith.constant 0 : index
      %get3A_51 = arith.constant 0 : index
      %get3A_52 = vector.load %arg7[%get3A_50, %get3A_51] : memref<1x128xf32, #tpu.memory_space<vmem>>, vector<1x128xf32>
      %add3A_53 = vector.broadcast %get3A_52 : vector<1x128xf32> to vector<64x128xf32>
      %add3A_54 = arith.addf %dot_general3A_49, %add3A_53 : vector<64x128xf32>
      %ge3A = arith.constant 0.000000e+00 : f32
      %ge3A_55 = vector.broadcast %ge3A : f32 to vector<64x128xf32>
      %ge3A_56 = arith.cmpf oge, %add3A_54, %ge3A_55 : vector<64x128xf32>
      %mul3A_57 = arith.constant 1.000000e-01 : f32
      %mul3A_58 = vector.broadcast %mul3A_57 : f32 to vector<64x128xf32>
      %mul3A_59 = arith.mulf %mul3A_58, %add3A_54 : vector<64x128xf32>
      %select_n3A_60 = arith.select %ge3A_56, %add3A_54, %mul3A_59 : vector<64x128xi1>, vector<64x128xf32>
      %get3A_61 = arith.constant 0 : index
      %get3A_62 = arith.constant 0 : index
      %get3A_63 = vector.load %arg8[%get3A_61, %get3A_62] : memref<128x64xf32, #tpu.memory_space<vmem>>, vector<128x64xf32>
      %dot_general3A_64 = arith.constant dense<0.000000e+00> : vector<64x64xf32>
      %dot_general3A_65 = tpu.matmul %select_n3A_60, %get3A_63, %dot_general3A_64 {dimension_numbers = #tpu.dot_dimension_numbers<[1], [0], [0], [1], [0, 0, 1, 1], [], []>, transpose_lhs_hint = false} : vector<64x128xf32>, vector<128x64xf32>, vector<64x64xf32> -> vector<64x64xf32>
      %get3A_66 = arith.constant 0 : index
      %get3A_67 = arith.constant 0 : index
      %get3A_68 = vector.load %arg9[%get3A_66, %get3A_67] : memref<1x64xf32, #tpu.memory_space<vmem>>, vector<1x64xf32>
      %add3A_69 = vector.broadcast %get3A_68 : vector<1x64xf32> to vector<64x64xf32>
      %add3A_70 = arith.addf %dot_general3A_65, %add3A_69 : vector<64x64xf32>
      %ge3A_71 = arith.constant 0.000000e+00 : f32
      %ge3A_72 = vector.broadcast %ge3A_71 : f32 to vector<64x64xf32>
      %ge3A_73 = arith.cmpf oge, %add3A_70, %ge3A_72 : vector<64x64xf32>
      %mul3A_74 = arith.constant 1.000000e-01 : f32
      %mul3A_75 = vector.broadcast %mul3A_74 : f32 to vector<64x64xf32>
      %mul3A_76 = arith.mulf %mul3A_75, %add3A_70 : vector<64x64xf32>
      %select_n3A_77 = arith.select %ge3A_73, %add3A_70, %mul3A_76 : vector<64x64xi1>, vector<64x64xf32>
      %get3A_78 = arith.constant 0 : index
      %get3A_79 = arith.constant 0 : index
      %get3A_80 = vector.load %arg10[%get3A_78, %get3A_79] : memref<64x32xf32, #tpu.memory_space<vmem>>, vector<64x32xf32>
      %dot_general3A_81 = arith.constant dense<0.000000e+00> : vector<64x32xf32>
      %dot_general3A_82 = tpu.matmul %select_n3A_77, %get3A_80, %dot_general3A_81 {dimension_numbers = #tpu.dot_dimension_numbers<[1], [0], [0], [1], [0, 0, 1, 1], [], []>, transpose_lhs_hint = false} : vector<64x64xf32>, vector<64x32xf32>, vector<64x32xf32> -> vector<64x32xf32>
      %get3A_83 = arith.constant 0 : index
      %get3A_84 = arith.constant 0 : index
      %get3A_85 = vector.load %arg11[%get3A_83, %get3A_84] : memref<1x32xf32, #tpu.memory_space<vmem>>, vector<1x32xf32>
      %add3A_86 = vector.broadcast %get3A_85 : vector<1x32xf32> to vector<64x32xf32>
      %add3A_87 = arith.addf %dot_general3A_82, %add3A_86 : vector<64x32xf32>
      %swap3A = arith.constant 0 : index
      %swap3A_88 = arith.constant 0 : index
      %swap3A_89 = vector.load %arg13[%swap3A, %swap3A_88] : memref<64x32xf32, #tpu.memory_space<vmem>>, vector<64x32xf32>
      tpu.vector_store %arg13[%swap3A, %swap3A_88], %add3A_87 {strides = array<i32>} : memref<64x32xf32, #tpu.memory_space<vmem>>, vector<64x32xf32>,
    } else {
    }
    return
  }
  func.func @transform_0(%arg0: i32) -> (i32, i32, i32) {
    %c0_i32 = arith.constant 0 : i32
    %c0_i32_0 = arith.constant 0 : i32
    %c0_i32_1 = arith.constant 0 : i32
    return %c0_i32, %arg0, %c0_i32_0 : i32, i32, i32
  }
  func.func @transform_1(%arg0: i32) -> (i32, i32) {
    %c0_i32 = arith.constant 0 : i32
    %c0_i32_0 = arith.constant 0 : i32
    return %arg0, %c0_i32 : i32, i32
  }
  func.func @transform_2(%arg0: i32) -> (i32, i32) {
    %c0_i32 = arith.constant 0 : i32
    %c0_i32_0 = arith.constant 0 : i32
    return %arg0, %c0_i32 : i32, i32
  }
  func.func @transform_3(%arg0: i32) -> (i32, i32) {
    %c0_i32 = arith.constant 0 : i32
    %c0_i32_0 = arith.constant 0 : i32
    %c0_i32_1 = arith.constant 0 : i32
    return %c0_i32, %c0_i32_0 : i32, i32
  }
  func.func @transform_4(%arg0: i32) -> (i32, i32) {
    %c0_i32 = arith.constant 0 : i32
    %c0_i32_0 = arith.constant 0 : i32
    return %arg0, %c0_i32 : i32, i32
  }
  func.func @transform_5(%arg0: i32) -> (i32, i32) {
    %c0_i32 = arith.constant 0 : i32
    %c0_i32_0 = arith.constant 0 : i32
    %c0_i32_1 = arith.constant 0 : i32
    return %c0_i32, %c0_i32_0 : i32, i32
  }
  func.func @transform_6(%arg0: i32) -> (i32, i32) {
    %c0_i32 = arith.constant 0 : i32
    %c0_i32_0 = arith.constant 0 : i32
    %c0_i32_1 = arith.constant 0 : i32
    return %c0_i32, %c0_i32_0 : i32, i32
  }
  func.func @transform_7(%arg0: i32) -> (i32, i32) {
    %c0_i32 = arith.constant 0 : i32
    %c0_i32_0 = arith.constant 0 : i32
    %c0_i32_1 = arith.constant 0 : i32
    return %c0_i32, %c0_i32_0 : i32, i32
  }
  func.func @transform_8(%arg0: i32) -> (i32, i32) {
    %c0_i32 = arith.constant 0 : i32
    %c0_i32_0 = arith.constant 0 : i32
    %c0_i32_1 = arith.constant 0 : i32
    return %c0_i32, %c0_i32_0 : i32, i32
  }
  func.func @transform_9(%arg0: i32) -> (i32, i32) {
    %c0_i32 = arith.constant 0 : i32
    %c0_i32_0 = arith.constant 0 : i32
    %c0_i32_1 = arith.constant 0 : i32
    return %c0_i32, %c0_i32_0 : i32, i32
  }
  func.func @transform_10(%arg0: i32) -> (i32, i32) {
    %c0_i32 = arith.constant 0 : i32
    %c0_i32_0 = arith.constant 0 : i32
    %c0_i32_1 = arith.constant 0 : i32
    return %c0_i32, %c0_i32_0 : i32, i32
  }
  func.func @transform_11(%arg0: i32) -> (i32, i32) {
    %c0_i32 = arith.constant 0 : i32
    %c0_i32_0 = arith.constant 0 : i32
    %c0_i32_1 = arith.constant 0 : i32
    return %c0_i32, %c0_i32_0 : i32, i32
  }
  func.func @transform_12(%arg0: i32) -> (i32, i32) {
    %c0_i32 = arith.constant 0 : i32
    %c0_i32_0 = arith.constant 0 : i32
    %c0_i32_1 = arith.constant 0 : i32
    return %c0_i32, %c0_i32_0 : i32, i32
  }
}

</mosaic_0001>

<sc_bundles>
// kernel: kernel.11.cloned.1.call-start
scs
__scs_entry_jumppad:
0x0: {  	(pc) =	sbr.rel $0x88, $3  }
0x1: {  	(tag) =	ssettag $0x0;
	lr =	simm.s32 $0x1  }
0x2: {  	[smem:$0x3F94] =	sst lr;
	_ =	strace $0xD0000000  }
0x3: {  	_ = 	snop  }
0x4: {  	_ = 	snop  }
0x5: {  	_ = 	snop  }
0x6: {  	_ = 	snop  }
0x7: {  	_ = 	snop  }
__scs_overlays_trampoline_lowered:
0x8: {  	[smem:$0x3FA3] =	sst s0  }
0x9: {  	[smem:$0x3FA4] =	sst s1  }
0xa: {  	[smem:$0x3FA5] =	sst s2  }
0xb: {  	[smem:$0x3FA6] =	sst s3  }
0xc: {  	[smem:$0x3FA7] =	sst s4  }
0xd: {  	[smem:$0x3FA8] =	sst s5  }
0xe: {  	[smem:$0x3FA9] =	sst s6  }
0xf: {  	[smem:$0x3FAA] =	sst s7  }
0x10: {  	[smem:$0x3FAB] =	sst s8  }
0x11: {  	[smem:$0x3FAC] =	sst s9;
	s0 =	simm.s32 @!p0 $0x0  }
0x12: {  	s1 =	sld [smem:$0x3F92];
	s0 =	simm.s32 @p0 $0x1  }
0x13: {  	[smem:$0x3FAD] =	sst s0;
	s0 =	simm.s32 @!p1 $0x0  }
0x14: {  	s2 =	sld [smem:$0x3F91];
	s0 =	simm.s32 @p1 $0x1  }
0x15: {  	[smem:$0x3FAE] =	sst s0;
	s0 =	simm.s32 @!p2 $0x0  }
0x16: {  	s3 =	sld [smem:$0x3FDB];
	s0 =	simm.s32 @p2 $0x1  }
0x17: {  	s4 =	simm.s32 $0x1BF5;
	[smem:$0x3FB0] =	sst s0  }
0x18: {  	s0 =	sld [smem:$0x3F93];
	_ =	swait.ge [sflag:s4], $0x0  }
0x19: {  	s7 =	sld [smem:$0x3F94]  }
0x1a: {  	s8 =	sadd.s32 $0xFFFFE003, lr  }
0x1b: {  	s9 =	sadd.s32 $0xFFFFFEF7, lr;
	s5 =	simm.s32 $0xFFFFFFFF;
	p2 =	slt.u32 s8, $0xFFFFF086  }
0x1c: {  	p1 =	slt.u32 s9, $0xF7A;
	s5 =	simm.s32 @!p2 $0x0  }
0x1d: {  	s5 =	simm.s32 @p1 $0x1;
	p0 =	seq.s32 s7, s2  }
0x1e: {  	s7 =	smul.u32 @!p0 $0xF7A, s2;
	p2 =	seq.s32 @!p0 s5, $0x0  }
0x1f: {  	s9 =	smul.u32 $0xF7A, s1;
	s8 =	simm.s32 @!p0 $0x1BF5;
	p2 =	por !p2, p0  }
0x20: {  	[sflag:s8] =	ssyncset.s32 @!p0 $0xFFFFF086;
	s6 =	sadd.s32 @!p0 s3, s7;
	s7 =	simm.s32 @!p0 $0x108  }
0x21: {  	s3 =	sadd.s32 s3, s9;
	s6 =	sadd.s32 @!p0 $0x88, s6;
	s7 =	simm.s32 @p2 $0x1082  }
0x22: {  	[simem:s7], [sflag:s8] =	dma.local @!p0 [hbm:s6], $0xF7A  }
0x23: {  	s9 =	sor.u32 $0xD0000000, s2;
	s6 =	simm.s32 $0x108;
	_ =	swait.ge @!p0 [sflag:s8], $0x0  }
0x24: {  	s3 =	sadd.s32 $0x88, s3;
	s6 =	simm.s32 @!p1 $0x1082;
	[sflag:s4] =	ssyncset.s32 $0xFFFFF086  }
0x25: {  	[simem:s6], [sflag:s4] =	dma.local [hbm:s3], $0xF7A  }
0x26: {  	[smem:$0x3F94] =	sst s1;
	(tag) =	ssettag s2;
	_ =	strace s9  }
0x27: {  	s1 =	sld [smem:$0x3FA4]  }
0x28: {  	s2 =	sld [smem:$0x3FA5]  }
0x29: {  	s4 =	sld [smem:$0x3FA7]  }
0x2a: {  	p0 =	seq.s32 s5, $0x0;
	s5 =	sld [smem:$0x3FA8]  }
0x2b: {  	s6 =	sld [smem:$0x3FA9]  }
0x2c: {  	s7 =	sld [smem:$0x3FAA]  }
0x2d: {  	s3 =	simm.s32 $0x108;
	s8 =	sld [smem:$0x3FAB]  }
0x2e: {  	s3 =	simm.s32 @!p0 $0x1082;
	s9 =	sld [smem:$0x3FAC]  }
0x2f: {  	lr =	sadd.s32 s0, s3;
	s0 =	sld [smem:$0x3FA3]  }
0x30: {  	s3 =	sld [smem:$0x3FA6]  }
0x31: {  	[smem:$0x3FAF] =	sst s10  }
0x32: {  	s10 =	sld [smem:$0x3FAD];
	_ =	sdelay $0x3  }
0x33: {  	p0 =	seq.s32 s10, $0x1;
	s10 =	sld [smem:$0x3FAF];
	_ =	sdelay $0x3  }
0x34: {  	[smem:$0x3FAF] =	sst s10  }
0x35: {  	s10 =	sld [smem:$0x3FAE];
	_ =	sdelay $0x3  }
0x36: {  	p1 =	seq.s32 s10, $0x1;
	s10 =	sld [smem:$0x3FAF];
	_ =	sdelay $0x3  }
0x37: {  	[smem:$0x3FAF] =	sst s10  }
0x38: {  	s10 =	sld [smem:$0x3FB0]  }
0x39: {  	_ = 	snop;
	(pc) =	sbr.ind lr, $3  }
0x3a: {  	_ = 	snop  }
0x3b: {  	_ = 	snop  }
0x3c: {  	p2 =	seq.s32 s10, $0x1;
	s10 =	sld [smem:$0x3FAF]  }
0x3d: {  	_ =	shalt  }
0x3e: {  	_ =	shalt  }
0x3f: {  	_ =	shalt  }
0x40: {  	_ =	shalt  }
0x41: {  	_ =	shalt  }
0x42: {  	_ =	shalt  }
0x43: {  	_ =	shalt  }
0x44: {  	_ =	shalt  }
0x45: {  	_ =	shalt  }
0x46: {  	_ =	shalt  }
0x47: {  	_ =	shalt  }
0x48: {  	_ =	shalt  }
0x49: {  	_ =	shalt  }
0x4a: {  	_ =	shalt  }
0x4b: {  	_ =	shalt  }
0x4c: {  	_ =	shalt  }
0x4d: {  	_ =	shalt  }
0x4e: {  	_ =	shalt  }
0x4f: {  	_ =	shalt  }
0x50: {  	_ =	shalt  }
0x51: {  	_ =	shalt  }
0x52: {  	_ =	shalt  }
0x53: {  	_ =	shalt  }
0x54: {  	_ =	shalt  }
0x55: {  	_ =	shalt  }
0x56: {  	_ =	shalt  }
0x57: {  	_ =	shalt  }
0x58: {  	_ =	shalt  }
0x59: {  	_ =	shalt  }
0x5a: {  	_ =	shalt  }
0x5b: {  	_ =	shalt  }
0x5c: {  	_ =	shalt  }
0x5d: {  	_ =	shalt  }
0x5e: {  	_ =	shalt  }
0x5f: {  	_ =	shalt  }
0x60: {  	_ =	shalt  }
0x61: {  	_ =	shalt  }
0x62: {  	_ =	shalt  }
0x63: {  	_ =	shalt  }
0x64: {  	_ =	shalt  }
0x65: {  	_ =	shalt  }
0x66: {  	_ =	shalt  }
0x67: {  	_ =	shalt  }
0x68: {  	_ =	shalt  }
0x69: {  	_ =	shalt  }
0x6a: {  	_ =	shalt  }
0x6b: {  	_ =	shalt  }
0x6c: {  	_ =	shalt  }
0x6d: {  	_ =	shalt  }
0x6e: {  	_ =	shalt  }
0x6f: {  	_ =	shalt  }
0x70: {  	_ =	shalt  }
0x71: {  	_ =	shalt  }
0x72: {  	_ =	shalt  }
0x73: {  	_ =	shalt  }
0x74: {  	_ =	shalt  }
0x75: {  	_ =	shalt  }
0x76: {  	_ =	shalt  }
0x77: {  	_ =	shalt  }
0x78: {  	_ =	shalt  }
0x79: {  	_ =	shalt  }
0x7a: {  	_ =	shalt  }
0x7b: {  	_ =	shalt  }
0x7c: {  	_ =	shalt  }
0x7d: {  	_ =	shalt  }
0x7e: {  	_ =	shalt  }
0x7f: {  	_ =	shalt  }
0x80: {  	_ =	shalt  }
0x81: {  	_ =	shalt  }
0x82: {  	_ =	shalt  }
0x83: {  	_ =	shalt  }
0x84: {  	_ =	shalt  }
0x85: {  	_ =	shalt  }
0x86: {  	_ =	shalt  }
0x87: {  	_ =	shalt  }
.Lfunc_end0:
.L_simem_size_0:
called_computation.1_lowered:
.L_overlay_start_0:
0x88: {  	s2 =	sld [smem:$0x3FD9]  }
0x89: {  	s3 =	sld [smem:$0x3FFE];
	_ =	sdelay $0x1  }
0x8a: {  	s1 =	srdreg.scid  }
0x8b: {  	s0 =	sand.u32 $0x1, s1  }
0x8c: {  	s16 =	sshll.u32 s0, $0xA;
	s2 =	sadd.s32 s3, s2  }
0x8d: {  	s2 =	sadd.s32 s2, s16  }
0x8e: {  	[smem:$0x3FBB] =	sst s2  }
0x8f: {  	_ = 	snop  }
0x90: {  	(tm) =	ssettm $0x1  }
0x91: {  	s17 =	sld [smem:$0x3FFB];
	_ =	sdelay $0x3  }
0x92: {  	_ =	strace s17  }
0x93: {  	s2 =	sld [smem:$0x3FFC];
	_ =	sdelay $0x3  }
0x94: {  	_ =	strace s2  }
0x95: {  	s2 =	sld [smem:$0x3FFD];
	_ =	sdelay $0x3  }
0x96: {  	_ =	strace s2  }
0x97: {  	_ =	strace $0x8FFFFFFF  }
0x98: {  	s18 =	sld [smem:$0x3FDB];
	_ =	sdelay $0x1  }
0x99: {  	s19 =	simm.s32 $_scs_section_size  }
0x9a: {  	s4 =	simm.s32 $_size__tile_overlayer_lowered;
	s5 =	simm.s32 $_tile_overlayer_lowered  }
0x9b: {  	s22 =	simm.s32 $0x1BFF;
	s21 =	sshll.u32 s5, $0x1;
	s2 =	sadd.s32 s19, s18  }
0x9c: {  	s6 =	simm.s32 $0x0;
	s20 =	sshll.u32 s4, $0x1;
	s4 =	sadd.s32 s21, s2  }
0x9d: {  	[timem:s6], [sflag:s22] =	dma.local [hbm:s4], s20  }
0x9e: {  	_ =	swait.ge [sflag:s22], s20  }
0x9f: {  	s3 =	ssub.s32 $0x0, s20;
	[sflag:s22] =	ssyncset.done $0x0  }
0xa0: {  	[sflag:s22] =	ssyncadd.s32 s3;
	_ =	sdelay $0x1  }
0xa1: {  	s23 =	simm.s32 $0x1B8B  }
0xa2: {  	_ =	swait.ge [sflag:s23], $0x1  }
0xa3: {  	[sflag:s23] =	ssyncset.done $0x0  }
0xa4: {  	s25 =	simm.s32 $0x1B8E;
	s24 =	sld [smem:$0x3FFE];
	[sflag:s23] =	ssyncadd.s32 $0xFFFFFFFF  }
0xa5: {  	s26 =	simm.s32 $execute0_lowered;
	[smem:$0x3FD2] =	sst s25  }
0xa6: {  	s4 =	sshll.u32 s26, $0x1;
	_ =	strace $0x80000049;
	[dreg:$0x1] =	wrdreg $0xFFFFFFFF  }
0xa7: {  	s28 =	simm.s32 $_size_execute0_lowered;
	s2 =	sadd.s32 s2, s4;
	[dreg:$0x0] =	wrdreg $0x0  }
0xa8: {  	s4 =	sshll.u32 s28, $0x1;
	[dreg:$0x2] =	wrdreg s2  }
0xa9: {  	[dreg:$0x3] =	wrdreg s4  }
0xaa: {  	[dreg:$0x4] =	wrdreg $0xC0  }
0xab: {  	_ =	task [dreg:s6], $0x5FFFF  }
0xac: {  	[dreg:$0x1] =	wrdreg $0xFFFFFFFF  }
0xad: {  	[dreg:$0x0] =	wrdreg $0x60  }
0xae: {  	[dreg:$0x2] =	wrdreg s24  }
0xaf: {  	[dreg:$0x3] =	wrdreg $0x0  }
0xb0: {  	[dreg:$0x4] =	wrdreg $0x9  }
0xb1: {  	_ =	task.clear_ibuf [dreg:s6], $0x5FFFF;
	_ =	strace $0x90000049  }
0xb2: {  	s29 =	simm.s32 $0x9;
	_ =	strace $0x8000004B  }
0xb3: {  	_ =	swait.ge [sflag:s29], $0x1  }
0xb4: {  	[sflag:s29] =	ssyncadd.s32 $0xFFFFFFFF  }
0xb5: {  	_ =	strace $0x9000004B  }
0xb6: {  	_ =	sfence  }
0xb7: {  	s30 =	sld [smem:$0x0];
	_ =	sdelay $0x2  }
0xb8: {  	s31 =	sshll.u32 s1, $0xD;
	s1 =	sshrl.u32 s1, $0x2  }
0xb9: {  	s3 =	sand.u32 $0x4000, s31;
	s1 =	sadd.s32 s1, s30  }
0xba: {  	s0 =	sor.u32 s3, s0;
	s1 =	sshll.u32 s1, $0x11  }
0xbb: {  	s0 =	sor.u32 s1, s0  }
0xbc: {  	s0 =	sadd.s32 $0x8F2B, s0  }
0xbd: {  	[sflag:s0] =	ssyncadd.remote.s32 $0x1  }
0xbe: {  	_ =	sfence.sel $0xFFFF  }
0xbf: {  	[dreg:$0x0] =	wrdreg $0xFFFFFFFF;
	(pc) =	sbr.abs _section_cstart, $3  }
0xc0: {  	[dreg:$0x1] =	wrdreg $0xFFFFFFFF  }
0xc1: {  	_ =	task.clear_ibuf [dreg:s6], $0x2FFFF;
	_ =	strace $0x9FFFFFFF  }
0xc2: {  	(tm) =	ssettm $0x7FFFFFFF  }
0xc3: {  	_ =	shalt  }
tec
execute0_lowered:
.L_overlay_start_1:
0x0: {  	(tag) =	ssettag $0x1  }
0x1: {  	s6 =	rddreg [dreg:$0x0]  }
0x2: {  	s0 =	srdreg.scid;
	s2 =	rddreg [dreg:$0x1];
	s3 =	simm.s32 $0x0  }
0x3: {  	s13 =	simm.s32 $0x8700;
	s14 =	simm.s32 $0x4F00;
	s15 =	simm.s32 $0x80  }
0x4: {  	s16 =	simm.s32 $0x7700;
	s17 =	simm.s32 $0x1;
	s18 =	simm.s32 $0x0  }
0x5: {  	s5 =	sand.u32 $0x1, s0;
	s0 =	stileid.u32;
	[smem:$0x7FF] =	sst s3  }
0x6: {  	s4 =	sadd.s32 $0xC600, s6;
	s1 =	sshll.u32 s5, $0x4;
	s8 =	smul.u32 $0x4F00, s0  }
0x7: {  	s9 =	smul.u32 $0x4F000, s5;
	s5 =	ssub.s32 $0x2, s5;
	s1 =	sor.u32 s0, s1  }
0x8: {  	s31 =	sshll.u32 s0, $0x6;
	s11 =	sshrl.u32 s5, $0x1;
	s7 =	smul.u32 $0x500, s1  }
0x9: {  	s1 =	rddreg [dreg:$0x2];
	_ =	strace $0x8000004A;
	s30 =	sshrl.u32 s8, $0x3  }
0xa: {  	s9 =	sadd.s32 s8, s9;
	s11 =	ssub.s32 s5, s11;
	s12 =	sadd.s32 s8, s2  }
0xb: {  	s9 =	sshrl.u32 s9, $0x3;
	s10 =	sadd.s32 s7, s6;
	s7 =	sadd.s32 s30, s6  }
0xc: {  	s9 =	sadd.s32 s9, s6;
	s6 =	sor.u32 $0x1C02, s31;
	s5 =	sadd.s32 $0x25400, s7  }
0xd: {  	s7 =	sadd.s32 $0x1B400, s10;
	s8 =	sadd.s32 $0x2600, s10;
	s9 =	sadd.s32 $0x2F200, s9  }
0xe: {  	s10 =	smax.u32 s11, $0x1;
	s11 =	sshrl.u32 s12, $0x3;
	s12 =	simm.s32 $0x2  }
.LBB2_1:
0xf: {  	[spmem:s11], [sflag:s6] =	dma.local [hbm:s5], $0x9E0  }
0x10: {  	_ =	swait.ge [sflag:s12], $0x9E0  }
0x11: {  	[sflag:s12] =	ssyncset.done $0x0  }
0x12: {  	[sflag:s12] =	ssyncadd.s32 $0xFFFFF620  }
0x13: {  	[tilespmem:s13], [sflag:$0x2] =	stream.linear.gather [hbm4b:s7+s3], $0x2800, $0x38;
	[tilespmem:$0xAF00] =	vst v63  }
0x14: {  	_ =	swait.ge [sflag:s12], $0x2800  }
0x15: {  	[sflag:s12] =	ssyncset.done $0x0  }
0x16: {  	[sflag:s12] =	ssyncadd.s32 $0xFFFFD800  }
0x17: {  	[tilespmem:s14], [sflag:$0x2] =	stream.linear.gather [hbm4b:s8+s3], $0x2800, $0x38;
	[tilespmem:$0xAF00] =	vst v63  }
0x18: {  	_ =	swait.ge [sflag:s12], $0x2800  }
0x19: {  	[sflag:s12] =	ssyncset.done $0x0  }
0x1a: {  	[sflag:s12] =	ssyncadd.s32 $0xFFFFD800  }
0x1b: {  	s19 =	simm.s32 $0x8700;
	[bflag:$0x0] =	sbarrier.arrive $0xFFFF  }
0x1c: {  	[tilespmem:s16], [sflag:$0x1] =	stream.indirect.gather [hbm4b:s4+s15], $0x20, s19, s15, $0xb8;
	[tilespmem:$0xAF00] =	vst v63  }
0x1d: {  	_ =	swait.ge [sflag:s17], $0x1000  }
0x1e: {  	[sflag:s17] =	ssyncset.done $0x0  }
0x1f: {  	s31 =	simm.s32 $0x4F00;
	[sflag:s17] =	ssyncadd.s32 $0xFFFFF000  }
0x20: {  	[spmem:s2] =	stream.indirect.scatter.add.f32 [tilespmem:s16], [sflag:$0x2], $0x20, s31, s15, $0xb8;
	[tilespmem:$0xAF00] =	vst v63  }
0x21: {  	_ =	swait.ge [sflag:s12], $0x1000  }
0x22: {  	s20 =	simm.s32 $0x400;
	s19 =	simm.s32 $0x80;
	[sflag:s12] =	ssyncset.done $0x0  }
.LBB2_2:
0x23: {  	s21 =	sadd.s32 $0x8700, s19  }
0x24: {  	[sflag:s12] =	ssyncadd.s32 $0xFFFFF000;
	s22 =	smov.u32 s20;
	s23 =	sadd.s32 $0x200, s20  }
0x25: {  	[tilespmem:s16], [sflag:$0x1] =	stream.indirect.gather [hbm4b:s4+s15], $0x20, s21, s15, $0xb8;
	[tilespmem:$0xAF00] =	vst v63  }
0x26: {  	p0 =	sne.s32 s20, $0x9E00;
	_ =	swait.ge [sflag:s17], $0x1000  }
.Ltmp0:
0x27: {  	[sflag:s17] =	ssyncset.done $0x0;
	(pc) =	sbr.rel @p0 .LBB2_2-.Ltmp0, $4  }
0x28: {  	s19 =	sadd.s32 $0x4F00, s19;
	[sflag:s17] =	ssyncadd.s32 $0xFFFFF000  }
0x29: {  	[spmem:s2] =	stream.indirect.scatter.add.f32 [tilespmem:s16], [sflag:$0x2], $0x20, s19, s15, $0xb8;
	[tilespmem:$0xAF00] =	vst v63  }
0x2a: {  	_ =	swait.ge [sflag:s12], $0x1000  }
0x2b: {  	s20 =	smov.u32 s23;
	s19 =	sshra.s32 s22, $0x2;
	[sflag:s12] =	ssyncset.done $0x0  }
0x2c: {  	s20 =	sadd.s32 $0x8700, s19;
	[sflag:s12] =	ssyncadd.s32 $0xFFFFF000  }
0x2d: {  	[tilespmem:s16], [sflag:$0x1] =	stream.indirect.gather [hbm4b:s4+s15], $0x20, s20, s15, $0xb8;
	[tilespmem:$0xAF00] =	vst v63  }
0x2e: {  	_ =	swait.ge [sflag:s17], $0x1000  }
0x2f: {  	[sflag:s17] =	ssyncset.done $0x0  }
0x30: {  	s31 =	sadd.s32 $0x4F00, s19;
	[sflag:s17] =	ssyncadd.s32 $0xFFFFF000  }
0x31: {  	[spmem:s2] =	stream.indirect.scatter.add.f32 [tilespmem:s16], [sflag:$0x2], $0x20, s31, s15, $0xb8;
	[tilespmem:$0xAF00] =	vst v63  }
0x32: {  	_ =	swait.ge [sflag:s12], $0x1000  }
0x33: {  	s18 =	sadd.s32 $0x1, s18;
	[sflag:s12] =	ssyncset.done $0x0  }
0x34: {  	p0 =	sne.s32 s18, s10;
	[sflag:s12] =	ssyncadd.s32 $0xFFFFF000  }
.Ltmp1:
0x35: {  	[bflag:$0x0] =	sbarrier.arrive $0xFFFF;
	(pc) =	sbr.rel @p0 .LBB2_1-.Ltmp1, $4  }
0x36: {  	[hbm:s9], [sflag:s6] =	dma.local [spmem:s11], $0x9E0  }
0x37: {  	_ =	swait.ge [sflag:s12], $0x9E0  }
0x38: {  	[sflag:s12] =	ssyncset.done $0x0  }
0x39: {  	[sflag:s12] =	ssyncadd.s32 $0xFFFFF620  }
0x3a: {  	_ =	sfence.sel $0x180000  }
0x3b: {  	[bflag:$0x0] =	sbarrier.arrive $0xFFFF  }
0x3c: {  	p0 =	sne.s32 s0, $0x0;
	_ =	strace $0x9000004A  }
0x3d: {  	s0 =	sadd.s32 @!p0 $0x100000, s1;
	[bflag:$0x2] =	sbarrier.arrive $0xFFFF  }
0x3e: {  	[sflag:s0] =	ssyncadd.tile.s32 @!p0 $0x1;
	_ =	shalt  }
.Lfunc_end2:
_tile_overlayer_lowered:
.L_overlay_start_2:
0x3f: {  	(tag) =	ssettag $0x2  }
0x40: {  	s0 =	rddreg [dreg:$0x0];
	s2 =	stileid.u32  }
0x41: {  	s1 =	rddreg [dreg:$0x1];
	p0 =	sne.s32 s2, $0x0  }
0x42: {  	s3 =	rddreg [dreg:$0x2];
	[bflag:$0x3] =	sbarrier.arrive $0xFFFF;
	s2 =	simm.s32 @!p0 $0x1C02  }
0x43: {  	[timem:s3], [sflag:s2] =	dma.local @!p0 [hbm:s0], s1  }
0x44: {  	s0 =	simm.s32 @!p0 $0x2  }
0x45: {  	_ =	swait.ge @!p0 [sflag:s0], s1  }
0x46: {  	s1 =	ssub.s32 @!p0 $0x0, s1;
	[sflag:s0] =	ssyncset.done @!p0 $0x0  }
0x47: {  	[sflag:s0] =	ssyncadd.s32 @!p0 s1  }
0x48: {  	[bflag:$0x3] =	sbarrier.arrive $0xFFFF  }
0x49: {  	_ =	shalt  }

// kernel: kernel.14.cloned.1.call-start
scs
__scs_entry_jumppad:
0x0: {  	(pc) =	sbr.rel $0x88, $3  }
0x1: {  	(tag) =	ssettag $0x0;
	lr =	simm.s32 $0x1  }
0x2: {  	[smem:$0x3F94] =	sst lr;
	_ =	strace $0xD0000000  }
0x3: {  	_ = 	snop  }
0x4: {  	_ = 	snop  }
0x5: {  	_ = 	snop  }
0x6: {  	_ = 	snop  }
0x7: {  	_ = 	snop  }
__scs_overlays_trampoline_lowered:
0x8: {  	[smem:$0x3FA3] =	sst s0  }
0x9: {  	[smem:$0x3FA4] =	sst s1  }
0xa: {  	[smem:$0x3FA5] =	sst s2  }
0xb: {  	[smem:$0x3FA6] =	sst s3  }
0xc: {  	[smem:$0x3FA7] =	sst s4  }
0xd: {  	[smem:$0x3FA8] =	sst s5  }
0xe: {  	[smem:$0x3FA9] =	sst s6  }
0xf: {  	[smem:$0x3FAA] =	sst s7  }
0x10: {  	[smem:$0x3FAB] =	sst s8  }
0x11: {  	[smem:$0x3FAC] =	sst s9;
	s0 =	simm.s32 @!p0 $0x0  }
0x12: {  	s1 =	sld [smem:$0x3F92];
	s0 =	simm.s32 @p0 $0x1  }
0x13: {  	[smem:$0x3FAD] =	sst s0;
	s0 =	simm.s32 @!p1 $0x0  }
0x14: {  	s2 =	sld [smem:$0x3F91];
	s0 =	simm.s32 @p1 $0x1  }
0x15: {  	[smem:$0x3FAE] =	sst s0;
	s0 =	simm.s32 @!p2 $0x0  }
0x16: {  	s3 =	sld [smem:$0x3FDB];
	s0 =	simm.s32 @p2 $0x1  }
0x17: {  	s4 =	simm.s32 $0x1BF5;
	[smem:$0x3FB0] =	sst s0  }
0x18: {  	s0 =	sld [smem:$0x3F93];
	_ =	swait.ge [sflag:s4], $0x0  }
0x19: {  	s7 =	sld [smem:$0x3F94]  }
0x1a: {  	s8 =	sadd.s32 $0xFFFFE003, lr  }
0x1b: {  	s9 =	sadd.s32 $0xFFFFFEF7, lr;
	s5 =	simm.s32 $0xFFFFFFFF;
	p2 =	slt.u32 s8, $0xFFFFF086  }
0x1c: {  	p1 =	slt.u32 s9, $0xF7A;
	s5 =	simm.s32 @!p2 $0x0  }
0x1d: {  	s5 =	simm.s32 @p1 $0x1;
	p0 =	seq.s32 s7, s2  }
0x1e: {  	s7 =	smul.u32 @!p0 $0xF7A, s2;
	p2 =	seq.s32 @!p0 s5, $0x0  }
0x1f: {  	s9 =	smul.u32 $0xF7A, s1;
	s8 =	simm.s32 @!p0 $0x1BF5;
	p2 =	por !p2, p0  }
0x20: {  	[sflag:s8] =	ssyncset.s32 @!p0 $0xFFFFF086;
	s6 =	sadd.s32 @!p0 s3, s7;
	s7 =	simm.s32 @!p0 $0x108  }
0x21: {  	s3 =	sadd.s32 s3, s9;
	s6 =	sadd.s32 @!p0 $0x88, s6;
	s7 =	simm.s32 @p2 $0x1082  }
0x22: {  	[simem:s7], [sflag:s8] =	dma.local @!p0 [hbm:s6], $0xF7A  }
0x23: {  	s9 =	sor.u32 $0xD0000000, s2;
	s6 =	simm.s32 $0x108;
	_ =	swait.ge @!p0 [sflag:s8], $0x0  }
0x24: {  	s3 =	sadd.s32 $0x88, s3;
	s6 =	simm.s32 @!p1 $0x1082;
	[sflag:s4] =	ssyncset.s32 $0xFFFFF086  }
0x25: {  	[simem:s6], [sflag:s4] =	dma.local [hbm:s3], $0xF7A  }
0x26: {  	[smem:$0x3F94] =	sst s1;
	(tag) =	ssettag s2;
	_ =	strace s9  }
0x27: {  	s1 =	sld [smem:$0x3FA4]  }
0x28: {  	s2 =	sld [smem:$0x3FA5]  }
0x29: {  	s4 =	sld [smem:$0x3FA7]  }
0x2a: {  	p0 =	seq.s32 s5, $0x0;
	s5 =	sld [smem:$0x3FA8]  }
0x2b: {  	s6 =	sld [smem:$0x3FA9]  }
0x2c: {  	s7 =	sld [smem:$0x3FAA]  }
0x2d: {  	s3 =	simm.s32 $0x108;
	s8 =	sld [smem:$0x3FAB]  }
0x2e: {  	s3 =	simm.s32 @!p0 $0x1082;
	s9 =	sld [smem:$0x3FAC]  }
0x2f: {  	lr =	sadd.s32 s0, s3;
	s0 =	sld [smem:$0x3FA3]  }
0x30: {  	s3 =	sld [smem:$0x3FA6]  }
0x31: {  	[smem:$0x3FAF] =	sst s10  }
0x32: {  	s10 =	sld [smem:$0x3FAD];
	_ =	sdelay $0x3  }
0x33: {  	p0 =	seq.s32 s10, $0x1;
	s10 =	sld [smem:$0x3FAF];
	_ =	sdelay $0x3  }
0x34: {  	[smem:$0x3FAF] =	sst s10  }
0x35: {  	s10 =	sld [smem:$0x3FAE];
	_ =	sdelay $0x3  }
0x36: {  	p1 =	seq.s32 s10, $0x1;
	s10 =	sld [smem:$0x3FAF];
	_ =	sdelay $0x3  }
0x37: {  	[smem:$0x3FAF] =	sst s10  }
0x38: {  	s10 =	sld [smem:$0x3FB0]  }
0x39: {  	_ = 	snop;
	(pc) =	sbr.ind lr, $3  }
0x3a: {  	_ = 	snop  }
0x3b: {  	_ = 	snop  }
0x3c: {  	p2 =	seq.s32 s10, $0x1;
	s10 =	sld [smem:$0x3FAF]  }
0x3d: {  	_ =	shalt  }
0x3e: {  	_ =	shalt  }
0x3f: {  	_ =	shalt  }
0x40: {  	_ =	shalt  }
0x41: {  	_ =	shalt  }
0x42: {  	_ =	shalt  }
0x43: {  	_ =	shalt  }
0x44: {  	_ =	shalt  }
0x45: {  	_ =	shalt  }
0x46: {  	_ =	shalt  }
0x47: {  	_ =	shalt  }
0x48: {  	_ =	shalt  }
0x49: {  	_ =	shalt  }
0x4a: {  	_ =	shalt  }
0x4b: {  	_ =	shalt  }
0x4c: {  	_ =	shalt  }
0x4d: {  	_ =	shalt  }
0x4e: {  	_ =	shalt  }
0x4f: {  	_ =	shalt  }
0x50: {  	_ =	shalt  }
0x51: {  	_ =	shalt  }
0x52: {  	_ =	shalt  }
0x53: {  	_ =	shalt  }
0x54: {  	_ =	shalt  }
0x55: {  	_ =	shalt  }
0x56: {  	_ =	shalt  }
0x57: {  	_ =	shalt  }
0x58: {  	_ =	shalt  }
0x59: {  	_ =	shalt  }
0x5a: {  	_ =	shalt  }
0x5b: {  	_ =	shalt  }
0x5c: {  	_ =	shalt  }
0x5d: {  	_ =	shalt  }
0x5e: {  	_ =	shalt  }
0x5f: {  	_ =	shalt  }
0x60: {  	_ =	shalt  }
0x61: {  	_ =	shalt  }
0x62: {  	_ =	shalt  }
0x63: {  	_ =	shalt  }
0x64: {  	_ =	shalt  }
0x65: {  	_ =	shalt  }
0x66: {  	_ =	shalt  }
0x67: {  	_ =	shalt  }
0x68: {  	_ =	shalt  }
0x69: {  	_ =	shalt  }
0x6a: {  	_ =	shalt  }
0x6b: {  	_ =	shalt  }
0x6c: {  	_ =	shalt  }
0x6d: {  	_ =	shalt  }
0x6e: {  	_ =	shalt  }
0x6f: {  	_ =	shalt  }
0x70: {  	_ =	shalt  }
0x71: {  	_ =	shalt  }
0x72: {  	_ =	shalt  }
0x73: {  	_ =	shalt  }
0x74: {  	_ =	shalt  }
0x75: {  	_ =	shalt  }
0x76: {  	_ =	shalt  }
0x77: {  	_ =	shalt  }
0x78: {  	_ =	shalt  }
0x79: {  	_ =	shalt  }
0x7a: {  	_ =	shalt  }
0x7b: {  	_ =	shalt  }
0x7c: {  	_ =	shalt  }
0x7d: {  	_ =	shalt  }
0x7e: {  	_ =	shalt  }
0x7f: {  	_ =	shalt  }
0x80: {  	_ =	shalt  }
0x81: {  	_ =	shalt  }
0x82: {  	_ =	shalt  }
0x83: {  	_ =	shalt  }
0x84: {  	_ =	shalt  }
0x85: {  	_ =	shalt  }
0x86: {  	_ =	shalt  }
0x87: {  	_ =	shalt  }
.Lfunc_end0:
.L_simem_size_0:
called_computation.2_lowered:
.L_overlay_start_0:
0x88: {  	s2 =	sld [smem:$0x3FD9]  }
0x89: {  	s3 =	sld [smem:$0x3FFE];
	_ =	sdelay $0x1  }
0x8a: {  	s1 =	srdreg.scid  }
0x8b: {  	s0 =	sand.u32 $0x1, s1  }
0x8c: {  	s16 =	sshll.u32 s0, $0xA;
	s2 =	sadd.s32 s3, s2  }
0x8d: {  	s2 =	sadd.s32 s2, s16  }
0x8e: {  	[smem:$0x3FBB] =	sst s2  }
0x8f: {  	_ = 	snop  }
0x90: {  	(tm) =	ssettm $0x1  }
0x91: {  	s17 =	sld [smem:$0x3FFB];
	_ =	sdelay $0x3  }
0x92: {  	_ =	strace s17  }
0x93: {  	s2 =	sld [smem:$0x3FFC];
	_ =	sdelay $0x3  }
0x94: {  	_ =	strace s2  }
0x95: {  	s2 =	sld [smem:$0x3FFD];
	_ =	sdelay $0x3  }
0x96: {  	_ =	strace s2  }
0x97: {  	_ =	strace $0x8FFFFFFF  }
0x98: {  	s18 =	sld [smem:$0x3FDB];
	_ =	sdelay $0x1  }
0x99: {  	s19 =	simm.s32 $_scs_section_size  }
0x9a: {  	s4 =	simm.s32 $_size__tile_overlayer_lowered;
	s5 =	simm.s32 $_tile_overlayer_lowered  }
0x9b: {  	s22 =	simm.s32 $0x1BFF;
	s21 =	sshll.u32 s5, $0x1;
	s2 =	sadd.s32 s19, s18  }
0x9c: {  	s6 =	simm.s32 $0x0;
	s20 =	sshll.u32 s4, $0x1;
	s4 =	sadd.s32 s21, s2  }
0x9d: {  	[timem:s6], [sflag:s22] =	dma.local [hbm:s4], s20  }
0x9e: {  	_ =	swait.ge [sflag:s22], s20  }
0x9f: {  	s3 =	ssub.s32 $0x0, s20;
	[sflag:s22] =	ssyncset.done $0x0  }
0xa0: {  	[sflag:s22] =	ssyncadd.s32 s3;
	_ =	sdelay $0x1  }
0xa1: {  	s23 =	simm.s32 $0x1B8B  }
0xa2: {  	_ =	swait.ge [sflag:s23], $0x1  }
0xa3: {  	[sflag:s23] =	ssyncset.done $0x0  }
0xa4: {  	s25 =	simm.s32 $0x1B8E;
	s24 =	sld [smem:$0x3FFE];
	[sflag:s23] =	ssyncadd.s32 $0xFFFFFFFF  }
0xa5: {  	s26 =	simm.s32 $execute0_lowered;
	[smem:$0x3FD2] =	sst s25  }
0xa6: {  	s4 =	sshll.u32 s26, $0x1;
	_ =	strace $0x8000004C;
	[dreg:$0x1] =	wrdreg $0xFFFFFFFF  }
0xa7: {  	s28 =	simm.s32 $_size_execute0_lowered;
	s2 =	sadd.s32 s2, s4;
	[dreg:$0x0] =	wrdreg $0x0  }
0xa8: {  	s4 =	sshll.u32 s28, $0x1;
	[dreg:$0x2] =	wrdreg s2  }
0xa9: {  	[dreg:$0x3] =	wrdreg s4  }
0xaa: {  	[dreg:$0x4] =	wrdreg $0xC0  }
0xab: {  	_ =	task [dreg:s6], $0x5FFFF  }
0xac: {  	[dreg:$0x1] =	wrdreg $0xFFFFFFFF  }
0xad: {  	[dreg:$0x0] =	wrdreg $0x60  }
0xae: {  	[dreg:$0x2] =	wrdreg s24  }
0xaf: {  	[dreg:$0x3] =	wrdreg $0x0  }
0xb0: {  	[dreg:$0x4] =	wrdreg $0x9  }
0xb1: {  	_ =	task.clear_ibuf [dreg:s6], $0x5FFFF;
	_ =	strace $0x9000004C  }
0xb2: {  	s29 =	simm.s32 $0x9;
	_ =	strace $0x8000004E  }
0xb3: {  	_ =	swait.ge [sflag:s29], $0x1  }
0xb4: {  	[sflag:s29] =	ssyncadd.s32 $0xFFFFFFFF  }
0xb5: {  	_ =	strace $0x9000004E  }
0xb6: {  	_ =	sfence  }
0xb7: {  	s30 =	sld [smem:$0x0];
	_ =	sdelay $0x2  }
0xb8: {  	s31 =	sshll.u32 s1, $0xD;
	s1 =	sshrl.u32 s1, $0x2  }
0xb9: {  	s3 =	sand.u32 $0x4000, s31;
	s1 =	sadd.s32 s1, s30  }
0xba: {  	s0 =	sor.u32 s3, s0;
	s1 =	sshll.u32 s1, $0x11  }
0xbb: {  	s0 =	sor.u32 s1, s0  }
0xbc: {  	s0 =	sadd.s32 $0x8F2B, s0  }
0xbd: {  	[sflag:s0] =	ssyncadd.remote.s32 $0x1  }
0xbe: {  	_ =	sfence.sel $0xFFFF  }
0xbf: {  	[dreg:$0x0] =	wrdreg $0xFFFFFFFF;
	(pc) =	sbr.abs _section_cstart, $3  }
0xc0: {  	[dreg:$0x1] =	wrdreg $0xFFFFFFFF  }
0xc1: {  	_ =	task.clear_ibuf [dreg:s6], $0x2FFFF;
	_ =	strace $0x9FFFFFFF  }
0xc2: {  	(tm) =	ssettm $0x7FFFFFFF  }
0xc3: {  	_ =	shalt  }
tec
execute0_lowered:
.L_overlay_start_1:
0x0: {  	(tag) =	ssettag $0x1  }
0x1: {  	s6 =	rddreg [dreg:$0x0]  }
0x2: {  	s0 =	srdreg.scid;
	s2 =	rddreg [dreg:$0x1];
	s3 =	simm.s32 $0x0  }
0x3: {  	s13 =	simm.s32 $0xE600;
	s14 =	simm.s32 $0x9E00;
	s15 =	simm.s32 $0x80  }
0x4: {  	s16 =	simm.s32 $0xC600;
	s17 =	simm.s32 $0x1;
	s18 =	simm.s32 $0x0  }
0x5: {  	s5 =	sand.u32 $0x1, s0;
	s0 =	stileid.u32;
	[smem:$0x7FF] =	sst s3  }
0x6: {  	s4 =	sadd.s32 $0x25400, s6;
	s1 =	sshll.u32 s5, $0x4;
	s8 =	smul.u32 $0x9E00, s0  }
0x7: {  	s9 =	smul.u32 $0x9E000, s5;
	s5 =	ssub.s32 $0x2, s5;
	s1 =	sor.u32 s0, s1  }
0x8: {  	s31 =	sshll.u32 s0, $0x6;
	s11 =	sshrl.u32 s5, $0x1;
	s7 =	smul.u32 $0x500, s1  }
0x9: {  	s1 =	rddreg [dreg:$0x2];
	_ =	strace $0x8000004D;
	s30 =	sshrl.u32 s8, $0x3  }
0xa: {  	s9 =	sadd.s32 s8, s9;
	s11 =	ssub.s32 s5, s11;
	s12 =	sadd.s32 s8, s2  }
0xb: {  	s9 =	sshrl.u32 s9, $0x3;
	s10 =	sadd.s32 s7, s6;
	s7 =	sadd.s32 s30, s6  }
0xc: {  	s9 =	sadd.s32 s9, s6;
	s6 =	sor.u32 $0x1C02, s31;
	s5 =	sadd.s32 $0x39000, s7  }
0xd: {  	s7 =	sadd.s32 $0x1B400, s10;
	s8 =	sadd.s32 $0x2600, s10;
	s9 =	sadd.s32 $0x4CC00, s9  }
0xe: {  	s10 =	smax.u32 s11, $0x1;
	s11 =	sshrl.u32 s12, $0x3;
	s12 =	simm.s32 $0x2  }
.LBB2_1:
0xf: {  	[spmem:s11], [sflag:s6] =	dma.local [hbm:s5], $0x13C0  }
0x10: {  	_ =	swait.ge [sflag:s12], $0x13C0  }
0x11: {  	[sflag:s12] =	ssyncset.done $0x0  }
0x12: {  	[sflag:s12] =	ssyncadd.s32 $0xFFFFEC40  }
0x13: {  	[tilespmem:s13], [sflag:$0x2] =	stream.linear.gather [hbm4b:s7+s3], $0x2800, $0x38;
	[tilespmem:$0x10E00] =	vst v63  }
0x14: {  	_ =	swait.ge [sflag:s12], $0x2800  }
0x15: {  	[sflag:s12] =	ssyncset.done $0x0  }
0x16: {  	[sflag:s12] =	ssyncadd.s32 $0xFFFFD800  }
0x17: {  	[tilespmem:s14], [sflag:$0x2] =	stream.linear.gather [hbm4b:s8+s3], $0x2800, $0x38;
	[tilespmem:$0x10E00] =	vst v63  }
0x18: {  	_ =	swait.ge [sflag:s12], $0x2800  }
0x19: {  	[sflag:s12] =	ssyncset.done $0x0  }
0x1a: {  	[sflag:s12] =	ssyncadd.s32 $0xFFFFD800  }
0x1b: {  	s19 =	simm.s32 $0xE600;
	[bflag:$0x0] =	sbarrier.arrive $0xFFFF  }
0x1c: {  	[tilespmem:s16], [sflag:$0x1] =	stream.indirect.gather [hbm4b:s4+s15], $0x40, s19, s15, $0xb8;
	[tilespmem:$0x10E00] =	vst v63  }
0x1d: {  	_ =	swait.ge [sflag:s17], $0x2000  }
0x1e: {  	[sflag:s17] =	ssyncset.done $0x0  }
0x1f: {  	s31 =	simm.s32 $0x9E00;
	[sflag:s17] =	ssyncadd.s32 $0xFFFFE000  }
0x20: {  	[spmem:s2] =	stream.indirect.scatter.add.f32 [tilespmem:s16], [sflag:$0x2], $0x40, s31, s15, $0xb8;
	[tilespmem:$0x10E00] =	vst v63  }
0x21: {  	_ =	swait.ge [sflag:s12], $0x2000  }
0x22: {  	s20 =	simm.s32 $0x400;
	s19 =	simm.s32 $0x80;
	[sflag:s12] =	ssyncset.done $0x0  }
.LBB2_2:
0x23: {  	s21 =	sadd.s32 $0xE600, s19  }
0x24: {  	[sflag:s12] =	ssyncadd.s32 $0xFFFFE000;
	s22 =	smov.u32 s20;
	s23 =	sadd.s32 $0x200, s20  }
0x25: {  	[tilespmem:s16], [sflag:$0x1] =	stream.indirect.gather [hbm4b:s4+s15], $0x40, s21, s15, $0xb8;
	[tilespmem:$0x10E00] =	vst v63  }
0x26: {  	p0 =	sne.s32 s20, $0x9E00;
	_ =	swait.ge [sflag:s17], $0x2000  }
.Ltmp0:
0x27: {  	[sflag:s17] =	ssyncset.done $0x0;
	(pc) =	sbr.rel @p0 .LBB2_2-.Ltmp0, $4  }
0x28: {  	s19 =	sadd.s32 $0x9E00, s19;
	[sflag:s17] =	ssyncadd.s32 $0xFFFFE000  }
0x29: {  	[spmem:s2] =	stream.indirect.scatter.add.f32 [tilespmem:s16], [sflag:$0x2], $0x40, s19, s15, $0xb8;
	[tilespmem:$0x10E00] =	vst v63  }
0x2a: {  	_ =	swait.ge [sflag:s12], $0x2000  }
0x2b: {  	s20 =	smov.u32 s23;
	s19 =	sshra.s32 s22, $0x2;
	[sflag:s12] =	ssyncset.done $0x0  }
0x2c: {  	s20 =	sadd.s32 $0xE600, s19;
	[sflag:s12] =	ssyncadd.s32 $0xFFFFE000  }
0x2d: {  	[tilespmem:s16], [sflag:$0x1] =	stream.indirect.gather [hbm4b:s4+s15], $0x40, s20, s15, $0xb8;
	[tilespmem:$0x10E00] =	vst v63  }
0x2e: {  	_ =	swait.ge [sflag:s17], $0x2000  }
0x2f: {  	[sflag:s17] =	ssyncset.done $0x0  }
0x30: {  	s31 =	sadd.s32 $0x9E00, s19;
	[sflag:s17] =	ssyncadd.s32 $0xFFFFE000  }
0x31: {  	[spmem:s2] =	stream.indirect.scatter.add.f32 [tilespmem:s16], [sflag:$0x2], $0x40, s31, s15, $0xb8;
	[tilespmem:$0x10E00] =	vst v63  }
0x32: {  	_ =	swait.ge [sflag:s12], $0x2000  }
0x33: {  	s18 =	sadd.s32 $0x1, s18;
	[sflag:s12] =	ssyncset.done $0x0  }
0x34: {  	p0 =	sne.s32 s18, s10;
	[sflag:s12] =	ssyncadd.s32 $0xFFFFE000  }
.Ltmp1:
0x35: {  	[bflag:$0x0] =	sbarrier.arrive $0xFFFF;
	(pc) =	sbr.rel @p0 .LBB2_1-.Ltmp1, $4  }
0x36: {  	[hbm:s9], [sflag:s6] =	dma.local [spmem:s11], $0x13C0  }
0x37: {  	_ =	swait.ge [sflag:s12], $0x13C0  }
0x38: {  	[sflag:s12] =	ssyncset.done $0x0  }
0x39: {  	[sflag:s12] =	ssyncadd.s32 $0xFFFFEC40  }
0x3a: {  	_ =	sfence.sel $0x180000  }
0x3b: {  	[bflag:$0x0] =	sbarrier.arrive $0xFFFF  }
0x3c: {  	p0 =	sne.s32 s0, $0x0;
	_ =	strace $0x9000004D  }
0x3d: {  	s0 =	sadd.s32 @!p0 $0x100000, s1;
	[bflag:$0x2] =	sbarrier.arrive $0xFFFF  }
0x3e: {  	[sflag:s0] =	ssyncadd.tile.s32 @!p0 $0x1;
	_ =	shalt  }
.Lfunc_end2:
_tile_overlayer_lowered:
.L_overlay_start_2:
0x3f: {  	(tag) =	ssettag $0x2  }
0x40: {  	s0 =	rddreg [dreg:$0x0];
	s2 =	stileid.u32  }
0x41: {  	s1 =	rddreg [dreg:$0x1];
	p0 =	sne.s32 s2, $0x0  }
0x42: {  	s3 =	rddreg [dreg:$0x2];
	[bflag:$0x3] =	sbarrier.arrive $0xFFFF;
	s2 =	simm.s32 @!p0 $0x1C02  }
0x43: {  	[timem:s3], [sflag:s2] =	dma.local @!p0 [hbm:s0], s1  }
0x44: {  	s0 =	simm.s32 @!p0 $0x2  }
0x45: {  	_ =	swait.ge @!p0 [sflag:s0], s1  }
0x46: {  	s1 =	ssub.s32 @!p0 $0x0, s1;
	[sflag:s0] =	ssyncset.done @!p0 $0x0  }
0x47: {  	[sflag:s0] =	ssyncadd.s32 @!p0 s1  }
0x48: {  	[bflag:$0x3] =	sbarrier.arrive $0xFFFF  }
0x49: {  	_ =	shalt  }

// kernel: kernel.8.cloned.1.call-start
scs
__scs_entry_jumppad:
0x0: {  	(pc) =	sbr.rel $0x88, $3  }
0x1: {  	(tag) =	ssettag $0x0;
	lr =	simm.s32 $0x1  }
0x2: {  	[smem:$0x3F94] =	sst lr;
	_ =	strace $0xD0000000  }
0x3: {  	_ = 	snop  }
0x4: {  	_ = 	snop  }
0x5: {  	_ = 	snop  }
0x6: {  	_ = 	snop  }
0x7: {  	_ = 	snop  }
__scs_overlays_trampoline_lowered:
0x8: {  	[smem:$0x3FA3] =	sst s0  }
0x9: {  	[smem:$0x3FA4] =	sst s1  }
0xa: {  	[smem:$0x3FA5] =	sst s2  }
0xb: {  	[smem:$0x3FA6] =	sst s3  }
0xc: {  	[smem:$0x3FA7] =	sst s4  }
0xd: {  	[smem:$0x3FA8] =	sst s5  }
0xe: {  	[smem:$0x3FA9] =	sst s6  }
0xf: {  	[smem:$0x3FAA] =	sst s7  }
0x10: {  	[smem:$0x3FAB] =	sst s8  }
0x11: {  	[smem:$0x3FAC] =	sst s9;
	s0 =	simm.s32 @!p0 $0x0  }
0x12: {  	s1 =	sld [smem:$0x3F92];
	s0 =	simm.s32 @p0 $0x1  }
0x13: {  	[smem:$0x3FAD] =	sst s0;
	s0 =	simm.s32 @!p1 $0x0  }
0x14: {  	s2 =	sld [smem:$0x3F91];
	s0 =	simm.s32 @p1 $0x1  }
0x15: {  	[smem:$0x3FAE] =	sst s0;
	s0 =	simm.s32 @!p2 $0x0  }
0x16: {  	s3 =	sld [smem:$0x3FDB];
	s0 =	simm.s32 @p2 $0x1  }
0x17: {  	s4 =	simm.s32 $0x1BF5;
	[smem:$0x3FB0] =	sst s0  }
0x18: {  	s0 =	sld [smem:$0x3F93];
	_ =	swait.ge [sflag:s4], $0x0  }
0x19: {  	s7 =	sld [smem:$0x3F94]  }
0x1a: {  	s8 =	sadd.s32 $0xFFFFE003, lr  }
0x1b: {  	s9 =	sadd.s32 $0xFFFFFEF7, lr;
	s5 =	simm.s32 $0xFFFFFFFF;
	p2 =	slt.u32 s8, $0xFFFFF086  }
0x1c: {  	p1 =	slt.u32 s9, $0xF7A;
	s5 =	simm.s32 @!p2 $0x0  }
0x1d: {  	s5 =	simm.s32 @p1 $0x1;
	p0 =	seq.s32 s7, s2  }
0x1e: {  	s7 =	smul.u32 @!p0 $0xF7A, s2;
	p2 =	seq.s32 @!p0 s5, $0x0  }
0x1f: {  	s9 =	smul.u32 $0xF7A, s1;
	s8 =	simm.s32 @!p0 $0x1BF5;
	p2 =	por !p2, p0  }
0x20: {  	[sflag:s8] =	ssyncset.s32 @!p0 $0xFFFFF086;
	s6 =	sadd.s32 @!p0 s3, s7;
	s7 =	simm.s32 @!p0 $0x108  }
0x21: {  	s3 =	sadd.s32 s3, s9;
	s6 =	sadd.s32 @!p0 $0x88, s6;
	s7 =	simm.s32 @p2 $0x1082  }
0x22: {  	[simem:s7], [sflag:s8] =	dma.local @!p0 [hbm:s6], $0xF7A  }
0x23: {  	s9 =	sor.u32 $0xD0000000, s2;
	s6 =	simm.s32 $0x108;
	_ =	swait.ge @!p0 [sflag:s8], $0x0  }
0x24: {  	s3 =	sadd.s32 $0x88, s3;
	s6 =	simm.s32 @!p1 $0x1082;
	[sflag:s4] =	ssyncset.s32 $0xFFFFF086  }
0x25: {  	[simem:s6], [sflag:s4] =	dma.local [hbm:s3], $0xF7A  }
0x26: {  	[smem:$0x3F94] =	sst s1;
	(tag) =	ssettag s2;
	_ =	strace s9  }
0x27: {  	s1 =	sld [smem:$0x3FA4]  }
0x28: {  	s2 =	sld [smem:$0x3FA5]  }
0x29: {  	s4 =	sld [smem:$0x3FA7]  }
0x2a: {  	p0 =	seq.s32 s5, $0x0;
	s5 =	sld [smem:$0x3FA8]  }
0x2b: {  	s6 =	sld [smem:$0x3FA9]  }
0x2c: {  	s7 =	sld [smem:$0x3FAA]  }
0x2d: {  	s3 =	simm.s32 $0x108;
	s8 =	sld [smem:$0x3FAB]  }
0x2e: {  	s3 =	simm.s32 @!p0 $0x1082;
	s9 =	sld [smem:$0x3FAC]  }
0x2f: {  	lr =	sadd.s32 s0, s3;
	s0 =	sld [smem:$0x3FA3]  }
0x30: {  	s3 =	sld [smem:$0x3FA6]  }
0x31: {  	[smem:$0x3FAF] =	sst s10  }
0x32: {  	s10 =	sld [smem:$0x3FAD];
	_ =	sdelay $0x3  }
0x33: {  	p0 =	seq.s32 s10, $0x1;
	s10 =	sld [smem:$0x3FAF];
	_ =	sdelay $0x3  }
0x34: {  	[smem:$0x3FAF] =	sst s10  }
0x35: {  	s10 =	sld [smem:$0x3FAE];
	_ =	sdelay $0x3  }
0x36: {  	p1 =	seq.s32 s10, $0x1;
	s10 =	sld [smem:$0x3FAF];
	_ =	sdelay $0x3  }
0x37: {  	[smem:$0x3FAF] =	sst s10  }
0x38: {  	s10 =	sld [smem:$0x3FB0]  }
0x39: {  	_ = 	snop;
	(pc) =	sbr.ind lr, $3  }
0x3a: {  	_ = 	snop  }
0x3b: {  	_ = 	snop  }
0x3c: {  	p2 =	seq.s32 s10, $0x1;
	s10 =	sld [smem:$0x3FAF]  }
0x3d: {  	_ =	shalt  }
0x3e: {  	_ =	shalt  }
0x3f: {  	_ =	shalt  }
0x40: {  	_ =	shalt  }
0x41: {  	_ =	shalt  }
0x42: {  	_ =	shalt  }
0x43: {  	_ =	shalt  }
0x44: {  	_ =	shalt  }
0x45: {  	_ =	shalt  }
0x46: {  	_ =	shalt  }
0x47: {  	_ =	shalt  }
0x48: {  	_ =	shalt  }
0x49: {  	_ =	shalt  }
0x4a: {  	_ =	shalt  }
0x4b: {  	_ =	shalt  }
0x4c: {  	_ =	shalt  }
0x4d: {  	_ =	shalt  }
0x4e: {  	_ =	shalt  }
0x4f: {  	_ =	shalt  }
0x50: {  	_ =	shalt  }
0x51: {  	_ =	shalt  }
0x52: {  	_ =	shalt  }
0x53: {  	_ =	shalt  }
0x54: {  	_ =	shalt  }
0x55: {  	_ =	shalt  }
0x56: {  	_ =	shalt  }
0x57: {  	_ =	shalt  }
0x58: {  	_ =	shalt  }
0x59: {  	_ =	shalt  }
0x5a: {  	_ =	shalt  }
0x5b: {  	_ =	shalt  }
0x5c: {  	_ =	shalt  }
0x5d: {  	_ =	shalt  }
0x5e: {  	_ =	shalt  }
0x5f: {  	_ =	shalt  }
0x60: {  	_ =	shalt  }
0x61: {  	_ =	shalt  }
0x62: {  	_ =	shalt  }
0x63: {  	_ =	shalt  }
0x64: {  	_ =	shalt  }
0x65: {  	_ =	shalt  }
0x66: {  	_ =	shalt  }
0x67: {  	_ =	shalt  }
0x68: {  	_ =	shalt  }
0x69: {  	_ =	shalt  }
0x6a: {  	_ =	shalt  }
0x6b: {  	_ =	shalt  }
0x6c: {  	_ =	shalt  }
0x6d: {  	_ =	shalt  }
0x6e: {  	_ =	shalt  }
0x6f: {  	_ =	shalt  }
0x70: {  	_ =	shalt  }
0x71: {  	_ =	shalt  }
0x72: {  	_ =	shalt  }
0x73: {  	_ =	shalt  }
0x74: {  	_ =	shalt  }
0x75: {  	_ =	shalt  }
0x76: {  	_ =	shalt  }
0x77: {  	_ =	shalt  }
0x78: {  	_ =	shalt  }
0x79: {  	_ =	shalt  }
0x7a: {  	_ =	shalt  }
0x7b: {  	_ =	shalt  }
0x7c: {  	_ =	shalt  }
0x7d: {  	_ =	shalt  }
0x7e: {  	_ =	shalt  }
0x7f: {  	_ =	shalt  }
0x80: {  	_ =	shalt  }
0x81: {  	_ =	shalt  }
0x82: {  	_ =	shalt  }
0x83: {  	_ =	shalt  }
0x84: {  	_ =	shalt  }
0x85: {  	_ =	shalt  }
0x86: {  	_ =	shalt  }
0x87: {  	_ =	shalt  }
.Lfunc_end0:
.L_simem_size_0:
called_computation_lowered:
.L_overlay_start_0:
0x88: {  	s2 =	sld [smem:$0x3FD9]  }
0x89: {  	s3 =	sld [smem:$0x3FFE];
	_ =	sdelay $0x1  }
0x8a: {  	s1 =	srdreg.scid  }
0x8b: {  	s0 =	sand.u32 $0x1, s1  }
0x8c: {  	s17 =	sshll.u32 s0, $0xA;
	s2 =	sadd.s32 s3, s2  }
0x8d: {  	s2 =	sadd.s32 s2, s17  }
0x8e: {  	[smem:$0x3FBB] =	sst s2  }
0x8f: {  	_ = 	snop  }
0x90: {  	s2 =	sld [smem:$0x3FD0];
	(tm) =	ssettm $0x1  }
0x91: {  	s18 =	sld [smem:$0x3FFB];
	_ =	sdelay $0x3  }
0x92: {  	_ =	strace s18  }
0x93: {  	s3 =	sld [smem:$0x3FFC];
	_ =	sdelay $0x3  }
0x94: {  	_ =	strace s3  }
0x95: {  	s3 =	sld [smem:$0x3FFD];
	_ =	sdelay $0x3  }
0x96: {  	_ =	strace s3  }
0x97: {  	_ =	strace $0x8FFFFFFF  }
0x98: {  	s19 =	sld [smem:$0x3FDB];
	_ =	sdelay $0x1  }
0x99: {  	s4 =	simm.s32 $_scs_section_size  }
0x9a: {  	s5 =	simm.s32 $_size__tile_overlayer_lowered;
	s6 =	simm.s32 $_tile_overlayer_lowered  }
0x9b: {  	s22 =	simm.s32 $0x1BFF;
	s21 =	sshll.u32 s6, $0x1;
	s3 =	sadd.s32 s4, s19  }
0x9c: {  	s7 =	simm.s32 $0x0;
	s20 =	sshll.u32 s5, $0x1;
	s5 =	sadd.s32 s21, s3  }
0x9d: {  	[timem:s7], [sflag:s22] =	dma.local [hbm:s5], s20  }
0x9e: {  	_ =	swait.ge [sflag:s22], s20  }
0x9f: {  	s4 =	ssub.s32 $0x0, s20;
	[sflag:s22] =	ssyncset.done $0x0  }
0xa0: {  	[sflag:s22] =	ssyncadd.s32 s4;
	_ =	sdelay $0x1  }
0xa1: {  	s23 =	simm.s32 $0x1B8B  }
0xa2: {  	_ =	swait.ge [sflag:s23], $0x1  }
0xa3: {  	[sflag:s23] =	ssyncset.done $0x0  }
0xa4: {  	s25 =	simm.s32 $0x1B8E;
	s24 =	sld [smem:$0x3FFE];
	[sflag:s23] =	ssyncadd.s32 $0xFFFFFFFF  }
0xa5: {  	s26 =	simm.s32 $execute0_lowered;
	[smem:$0x3FD2] =	sst s25  }
0xa6: {  	s5 =	sshll.u32 s26, $0x1;
	_ =	strace $0x80000046;
	[dreg:$0x1] =	wrdreg $0xFFFFFFFF  }
0xa7: {  	s28 =	simm.s32 $_size_execute0_lowered;
	s3 =	sadd.s32 s3, s5;
	[dreg:$0x0] =	wrdreg $0x0  }
0xa8: {  	s5 =	sshll.u32 s28, $0x1;
	[dreg:$0x2] =	wrdreg s3  }
0xa9: {  	[dreg:$0x3] =	wrdreg s5  }
0xaa: {  	[dreg:$0x4] =	wrdreg $0xC0  }
0xab: {  	_ =	task [dreg:s7], $0x5FFFF  }
0xac: {  	[dreg:$0x1] =	wrdreg $0xFFFFFFFF  }
0xad: {  	[dreg:$0x0] =	wrdreg $0x60  }
0xae: {  	[dreg:$0x2] =	wrdreg s24  }
0xaf: {  	[dreg:$0x3] =	wrdreg s2  }
0xb0: {  	[dreg:$0x4] =	wrdreg $0x0  }
0xb1: {  	[dreg:$0x5] =	wrdreg $0x9  }
0xb2: {  	_ =	task.clear_ibuf [dreg:s7], $0x6FFFF;
	_ =	strace $0x90000046  }
0xb3: {  	s29 =	simm.s32 $0x9;
	_ =	strace $0x80000048  }
0xb4: {  	_ =	swait.ge [sflag:s29], $0x1  }
0xb5: {  	[sflag:s29] =	ssyncadd.s32 $0xFFFFFFFF  }
0xb6: {  	_ =	strace $0x90000048  }
0xb7: {  	_ =	sfence  }
0xb8: {  	s30 =	sld [smem:$0x0];
	_ =	sdelay $0x2  }
0xb9: {  	s31 =	sshll.u32 s1, $0xD;
	s1 =	sshrl.u32 s1, $0x2  }
0xba: {  	s3 =	sand.u32 $0x4000, s31;
	s1 =	sadd.s32 s1, s30  }
0xbb: {  	s0 =	sor.u32 s3, s0;
	s1 =	sshll.u32 s1, $0x11  }
0xbc: {  	s0 =	sor.u32 s1, s0  }
0xbd: {  	s0 =	sadd.s32 $0x8F2B, s0  }
0xbe: {  	[sflag:s0] =	ssyncadd.remote.s32 $0x1  }
0xbf: {  	_ =	sfence.sel $0xFFFF  }
0xc0: {  	[dreg:$0x0] =	wrdreg $0xFFFFFFFF;
	(pc) =	sbr.abs _section_cstart, $3  }
0xc1: {  	[dreg:$0x1] =	wrdreg $0xFFFFFFFF  }
0xc2: {  	_ =	task.clear_ibuf [dreg:s7], $0x2FFFF;
	_ =	strace $0x9FFFFFFF  }
0xc3: {  	(tm) =	ssettm $0x7FFFFFFF  }
tec
execute0_lowered:
.L_overlay_start_1:
0x0: {  	(tag) =	ssettag $0x1  }
0x1: {  	s6 =	rddreg [dreg:$0x0]  }
0x2: {  	s2 =	rddreg [dreg:$0x1]  }
0x3: {  	s0 =	srdreg.scid;
	s3 =	rddreg [dreg:$0x2]  }
0x4: {  	s4 =	simm.s32 $0x0;
	s13 =	simm.s32 $0x4F80;
	s14 =	simm.s32 $0x80  }
0x5: {  	s15 =	simm.s32 $0x0;
	s5 =	sand.u32 $0x1, s0;
	s0 =	stileid.u32  }
0x6: {  	[smem:$0x7FF] =	sst s4;
	s1 =	sshll.u32 s5, $0x4;
	s8 =	smul.u32 $0x2780, s0  }
0x7: {  	s9 =	smul.u32 $0x27800, s5;
	s5 =	ssub.s32 $0x2, s5;
	s1 =	sor.u32 s0, s1  }
0x8: {  	s31 =	sshll.u32 s0, $0x6;
	s11 =	sshrl.u32 s5, $0x1;
	s7 =	smul.u32 $0x500, s1  }
0x9: {  	s1 =	rddreg [dreg:$0x3];
	_ =	strace $0x80000047;
	s10 =	sshrl.u32 s8, $0x3  }
0xa: {  	s9 =	sadd.s32 s8, s9;
	s11 =	ssub.s32 s5, s11;
	s12 =	sadd.s32 s8, s3  }
0xb: {  	s10 =	sadd.s32 s10, s6;
	s9 =	sshrl.u32 s9, $0x3;
	s7 =	sadd.s32 s7, s6  }
0xc: {  	s9 =	sadd.s32 s9, s6;
	s5 =	sadd.s32 $0xC600, s10;
	s6 =	sor.u32 $0x1C01, s31  }
0xd: {  	s10 =	sshrl.u32 s12, $0x3;
	s12 =	simm.s32 $0x2780;
	s7 =	sadd.s32 $0x2600, s7  }
0xe: {  	s8 =	sadd.s32 $0x11600, s9;
	s9 =	smax.u32 s11, $0x1;
	s11 =	simm.s32 $0x1  }
.LBB2_1:
0xf: {  	[spmem:s10], [sflag:s6] =	dma.local [hbm:s5], $0x4F0  }
0x10: {  	_ =	swait.ge [sflag:s11], $0x4F0  }
0x11: {  	[sflag:s11] =	ssyncset.done $0x0  }
0x12: {  	[sflag:s11] =	ssyncadd.s32 $0xFFFFFB10  }
0x13: {  	[tilespmem:s12], [sflag:$0x1] =	stream.linear.gather [hbm4b:s7+s4], $0x2800, $0x38;
	[tilespmem:$0x5780] =	vst v63  }
0x14: {  	_ =	swait.ge [sflag:s11], $0x2800  }
0x15: {  	[sflag:s11] =	ssyncset.done $0x0  }
0x16: {  	[sflag:s11] =	ssyncadd.s32 $0xFFFFD800  }
0x17: {  	[tilespmem:s13], [sflag:$0x1] =	stream.linear.gather [hbm4b:s2+s4], $0x800, $0x38;
	[tilespmem:$0x5780] =	vst v63  }
0x18: {  	_ =	swait.ge [sflag:s11], $0x800  }
0x19: {  	[sflag:s11] =	ssyncset.done $0x0  }
0x1a: {  	[sflag:s11] =	ssyncadd.s32 $0xFFFFF800  }
0x1b: {  	s16 =	simm.s32 $0x2780;
	[bflag:$0x0] =	sbarrier.arrive $0xFFFF  }
0x1c: {  	[spmem:s3] =	stream.indirect.scatter.add.f32 [tilespmem:s13], [sflag:$0x1], $0x10, s16, s14, $0xb8;
	[tilespmem:$0x5780] =	vst v63  }
0x1d: {  	s16 =	simm.s32 $0x200;
	_ =	swait.ge [sflag:s11], $0x800  }
.LBB2_2:
0x1e: {  	s17 =	sshra.s32 s16, $0x2;
	[sflag:s11] =	ssyncset.done $0x0;
	p0 =	sne.s32 s16, $0x9E00  }
.Ltmp0:
0x1f: {  	s17 =	sadd.s32 $0x2780, s17;
	[sflag:s11] =	ssyncadd.s32 $0xFFFFF800;
	(pc) =	sbr.rel @p0 .LBB2_2-.Ltmp0, $3  }
0x20: {  	[spmem:s3] =	stream.indirect.scatter.add.f32 [tilespmem:s13], [sflag:$0x1], $0x10, s17, s14, $0xb8;
	[tilespmem:$0x5780] =	vst v63  }
0x21: {  	s16 =	sadd.s32 $0x200, s16;
	_ =	sdelay $0x1  }
0x22: {  	_ =	swait.ge [sflag:s11], $0x800  }
0x23: {  	[sflag:s11] =	ssyncset.done $0x0;
	s15 =	sadd.s32 $0x1, s15  }
0x24: {  	[sflag:s11] =	ssyncadd.s32 $0xFFFFF800;
	p0 =	sne.s32 s15, s9  }
.Ltmp1:
0x25: {  	[bflag:$0x0] =	sbarrier.arrive $0xFFFF;
	(pc) =	sbr.rel @p0 .LBB2_1-.Ltmp1, $4  }
0x26: {  	[hbm:s8], [sflag:s6] =	dma.local [spmem:s10], $0x4F0  }
0x27: {  	_ =	swait.ge [sflag:s11], $0x4F0  }
0x28: {  	[sflag:s11] =	ssyncset.done $0x0  }
0x29: {  	[sflag:s11] =	ssyncadd.s32 $0xFFFFFB10  }
0x2a: {  	_ =	sfence.sel $0x180000  }
0x2b: {  	[bflag:$0x0] =	sbarrier.arrive $0xFFFF  }
0x2c: {  	p0 =	sne.s32 s0, $0x0;
	_ =	strace $0x90000047  }
0x2d: {  	s0 =	sadd.s32 @!p0 $0x100000, s1;
	[bflag:$0x2] =	sbarrier.arrive $0xFFFF  }
0x2e: {  	[sflag:s0] =	ssyncadd.tile.s32 @!p0 $0x1;
	_ =	shalt  }
.Lfunc_end2:
_tile_overlayer_lowered:
.L_overlay_start_2:
0x2f: {  	(tag) =	ssettag $0x2  }
0x30: {  	s0 =	rddreg [dreg:$0x0];
	s2 =	stileid.u32  }
0x31: {  	s1 =	rddreg [dreg:$0x1];
	p0 =	sne.s32 s2, $0x0  }
0x32: {  	s3 =	rddreg [dreg:$0x2];
	[bflag:$0x3] =	sbarrier.arrive $0xFFFF;
	s2 =	simm.s32 @!p0 $0x1C01  }
0x33: {  	[timem:s3], [sflag:s2] =	dma.local @!p0 [hbm:s0], s1  }
0x34: {  	s0 =	simm.s32 @!p0 $0x1  }
0x35: {  	_ =	swait.ge @!p0 [sflag:s0], s1  }
0x36: {  	s1 =	ssub.s32 @!p0 $0x0, s1;
	[sflag:s0] =	ssyncset.done @!p0 $0x0  }
0x37: {  	[sflag:s0] =	ssyncadd.s32 @!p0 s1  }
0x38: {  	[bflag:$0x3] =	sbarrier.arrive $0xFFFF  }
0x39: {  	_ =	shalt  }

</sc_bundles>
